<compile_context>
chip_gen: v7x
topology: tpu7x:2x2x1
jax: 0.10.2.dev20260603
libtpu: 0.0.44.dev20260713+nightly
codegen_flags: <defaults>
</compile_context>

<pallas_src>
import jax
import jax.numpy as jnp
from jax import lax
from jax.experimental import pallas as pl
from jax.experimental.pallas import tpu as pltpu
from jax.experimental.pallas import tpu_sc as plsc

VOCAB = 1000000
EMBED_DIM = 64
BATCH = 16384
HIST = 50
NUM_IDX = BATCH * HIST

NUM_WORKERS = 32
B_PER_W = NUM_IDX // NUM_WORKERS

HALF_VOCAB = VOCAB // 2
TW = 12800
TGRID = (VOCAB + 2 * TW - 1) // (2 * TW)
EDGE_START = (TGRID - 1) * 2 * TW
EDGE_HALF = (VOCAB - EDGE_START) // 2

CHUNK = 256
WINDOWS_PER_H = BATCH // CHUNK
NBUF = 4
N_CHUNKS = B_PER_W // CHUNK
N_GROUPS = N_CHUNKS // NBUF
GATHER_W = 128


def _tc_pack(t_transposed):

    def body(x_ref, o_ref):
        i = pl.program_id(0)

        @pl.when(i < TGRID - 1)
        def _():
            o_ref[:, 0:EMBED_DIM] = x_ref[:, 0:TW].T
            o_ref[:, EMBED_DIM:] = x_ref[:, TW:].T

        @pl.when(i == TGRID - 1)
        def _():
            o_ref[0:EDGE_HALF, 0:EMBED_DIM] = x_ref[:, 0:EDGE_HALF].T
            o_ref[0:EDGE_HALF, EMBED_DIM:] = x_ref[
                :, EDGE_HALF : 2 * EDGE_HALF
            ].T

    return pl.pallas_call(
        body,
        grid=(TGRID,),
        in_specs=[pl.BlockSpec((EMBED_DIM, 2 * TW), lambda i: (0, i))],
        out_specs=pl.BlockSpec((TW, 2 * EMBED_DIM), lambda i: (i, 0)),
        out_shape=jax.ShapeDtypeStruct((HALF_VOCAB, 2 * EMBED_DIM), jnp.float32),
        compiler_params=pltpu.CompilerParams(
            dimension_semantics=("parallel",),
        ),
    )(t_transposed)


def _sc_gather(x_flat, table):
    mesh = plsc.VectorSubcoreMesh(core_axis_name="c", subcore_axis_name="s")

    @pl.kernel(
        out_type=jax.ShapeDtypeStruct((HIST, BATCH, EMBED_DIM), jnp.float32),
        mesh=mesh,
        compiler_params=pltpu.CompilerParams(use_tc_tiling_on_sc=False),
        scratch_types=(
            [
                pltpu.VMEM((B_PER_W,), jnp.int32),
                pltpu.VMEM((NBUF, CHUNK, EMBED_DIM), jnp.float32),
            ]
            + [pltpu.SemaphoreType.DMA] * (2 * NBUF)
        ),
    )
    def gather_kernel(table_hbm, idx_hbm, out_hbm, idx_all, rows_v, *sems):
        gsem = sems[:NBUF]
        wsem = sems[NBUF:]
        wid = lax.axis_index("s") * 2 + lax.axis_index("c")
        base = wid * B_PER_W
        tbase = wid * N_CHUNKS
        pltpu.sync_copy(idx_hbm.at[pl.ds(base, B_PER_W)], idx_all)

        def enq_gather(c, b):
            for j in range(CHUNK // GATHER_W):
                pltpu.async_copy(
                    table_hbm.at[
                        idx_all.at[pl.ds(c * CHUNK + j * GATHER_W, GATHER_W)]
                    ],
                    rows_v.at[b, pl.ds(j * GATHER_W, GATHER_W)],
                    gsem[b],
                )

        def wait_gather(c, b):
            for j in range(CHUNK // GATHER_W):
                pltpu.make_async_copy(
                    table_hbm.at[
                        idx_all.at[pl.ds(c * CHUNK + j * GATHER_W, GATHER_W)]
                    ],
                    rows_v.at[b, pl.ds(j * GATHER_W, GATHER_W)],
                    gsem[b],
                ).wait()

        def _dst(c):
            t = tbase + c
            h = t // WINDOWS_PER_H
            b0 = (t - h * WINDOWS_PER_H) * CHUNK
            return out_hbm.at[h, pl.ds(b0, CHUNK)]

        def enq_write(c, b):
            pltpu.async_copy(rows_v.at[b], _dst(c), wsem[b])

        def wait_write(c, b):
            pltpu.make_async_copy(rows_v.at[b], _dst(c), wsem[b]).wait()

        for b in range(NBUF):
            enq_gather(b, b)
        for b in range(NBUF):
            wait_gather(b, b)
            enq_write(b, b)

        @pl.loop(1, N_GROUPS)
        def _(g):
            c0 = g * NBUF
            for b in range(NBUF):
                wait_write(c0 - NBUF + b, b)
                enq_gather(c0 + b, b)
            for b in range(NBUF):
                wait_gather(c0 + b, b)
                enq_write(c0 + b, b)

        for b in range(NBUF):
            wait_write(N_CHUNKS - NBUF + b, b)

    return gather_kernel(table, x_flat)


HB = BATCH // 2
IDX_ROWS = NUM_IDX // 128
RPP = BATCH // 128


def _sc_idx_interleave(x128):
    mesh = plsc.VectorSubcoreMesh(core_axis_name="c", subcore_axis_name="s")

    @pl.kernel(
        out_type=jax.ShapeDtypeStruct((IDX_ROWS, 128), jnp.int32),
        mesh=mesh,
        compiler_params=pltpu.CompilerParams(needs_layout_passes=False),
        scratch_types=[
            pltpu.VMEM((RPP, 128), jnp.int32),
            pltpu.VMEM((RPP, 128), jnp.int32),
        ],
    )
    def k(x_hbm, o_hbm, plane_v, out_v):
        wid = lax.axis_index("s") * 2 + lax.axis_index("c")
        iota = lax.iota(jnp.int32, 16)
        c0 = (iota // 2) + (iota % 2) * HB

        def do_plane(h):
            pltpu.sync_copy(x_hbm.at[pl.ds(h * RPP, RPP)], plane_v)

            @pl.loop(0, RPP)
            def _(r):
                for q in range(8):
                    cols = c0 + (r * 64 + 8 * q)
                    vals = plsc.load_gather(
                        plane_v, [cols >> 7, cols & 127]
                    )
                    out_v[r, pl.ds(16 * q, 16)] = vals

            pltpu.sync_copy(out_v, o_hbm.at[pl.ds(h * RPP, RPP)])

        do_plane(wid)

        @pl.when(wid + 32 < HIST)
        def _():
            do_plane(wid + 32)

    return k(x128)


def _tc_merge(flat128):

    def body(x_ref, o_ref):
        o_ref[0, :, 0:HB] = x_ref[:, 0:EMBED_DIM].T
        o_ref[0, :, HB:] = x_ref[:, EMBED_DIM:].T

    return pl.pallas_call(
        body,
        grid=(HIST,),
        in_specs=[pl.BlockSpec((HB, 2 * EMBED_DIM), lambda h: (h, 0))],
        out_specs=pl.BlockSpec((1, EMBED_DIM, BATCH), lambda h: (h, 0, 0)),
        out_shape=jax.ShapeDtypeStruct((HIST, EMBED_DIM, BATCH), jnp.float32),
        compiler_params=pltpu.CompilerParams(
            dimension_semantics=("parallel",),
        ),
    )(flat128)


@jax.jit
def kernel(x, table):
    xi = x.astype(jnp.int32)
    blk = xi // (2 * TW)
    j = xi - blk * (2 * TW)
    half = j // TW
    xm = blk * (2 * TW) + 2 * (j - half * TW) + half
    je = xi - EDGE_START
    he = je // EDGE_HALF
    xm_edge = EDGE_START + 2 * (je - he * EDGE_HALF) + he
    xm = jnp.where(xi < EDGE_START, xm, xm_edge)

    x128 = xm.T.reshape(IDX_ROWS, 128)
    x_lin = _sc_idx_interleave(x128).reshape(NUM_IDX)

    table_lin = _tc_pack(table.T).reshape(VOCAB, EMBED_DIM)
    hmajor = _sc_gather(x_lin, table_lin)
    out = _tc_merge(hmajor.reshape(NUM_IDX // 2, 2 * EMBED_DIM))
    return out.transpose(2, 0, 1)

# --- scband reference (transcript-rebuilt; emitter-appended) ---
"""Pipeline reference for scband-embedder-18519898980468 (READ-ONLY COPY).

The authoritative reference and input builder live on the scoring server;
editing this copy changes nothing except your own understanding.
"""

import jax, jax.numpy as jnp
import numpy as np

VOCAB = 1000000
EMBED_DIM = 64
BATCH = 16384
HIST = 50

def setup_inputs(seed: int = 0) -> dict:
    key = jax.random.key(seed)
    k1, k2 = jax.random.split(key)
    # pretrained (frozen) embedding table; row 0 is padding_idx but
    # from_pretrained keeps the pretrained values for the pad row.
    table = jax.random.normal(k1, (VOCAB, EMBED_DIM), dtype=jnp.float32)
    x = jax.random.randint(k2, (BATCH, HIST), 0, VOCAB)
    return {"x": x, "table": table}

def reference(x, table):
    # nn.Embedding forward == row gather from the table
    return jnp.take(table, x, axis=0)

if __name__ == "__main__":
    import jax
    _d = setup_inputs()
    print(jax.jit(kernel)(*tuple(_d.values())))

</pallas_src>

<mosaic_0001>
#map = affine_map<(d0, d1) -> (0, 0)>
#map1 = affine_map<(d0, d1) -> (0)>
#map2 = affine_map<(d0, d1) -> (0, 0, 0)>
module attributes {stable_mosaic.version = 14 : i64} {
  func.func @gather_kernel(%arg0: i32, %arg1: i32, %arg2: memref<1000000x64xf32, #tpu.memory_space<hbm>>, %arg3: memref<819200xi32, #tpu.memory_space<hbm>>, %arg4: memref<50x16384x64xf32, #tpu.memory_space<hbm>>, %arg5: memref<25600xi32, #tpu.memory_space<vmem>>, %arg6: memref<4x256x64xf32, #tpu.memory_space<vmem>>, %arg7: memref<!tpu.dma_semaphore, #tpu.memory_space<semaphore_mem>>, %arg8: memref<!tpu.dma_semaphore, #tpu.memory_space<semaphore_mem>>, %arg9: memref<!tpu.dma_semaphore, #tpu.memory_space<semaphore_mem>>, %arg10: memref<!tpu.dma_semaphore, #tpu.memory_space<semaphore_mem>>, %arg11: memref<!tpu.dma_semaphore, #tpu.memory_space<semaphore_mem>>, %arg12: memref<!tpu.dma_semaphore, #tpu.memory_space<semaphore_mem>>, %arg13: memref<!tpu.dma_semaphore, #tpu.memory_space<semaphore_mem>>, %arg14: memref<!tpu.dma_semaphore, #tpu.memory_space<semaphore_mem>>) attributes {dimension_semantics = [#tpu.dimension_semantics<core_parallel>, #tpu.dimension_semantics<subcore_parallel>], iteration_bounds = array<i64: 2, 16>, scalar_prefetch = 0 : i64, scratch_operands = 10 : i64, tpu.core_type = #tpu.core_type<sc_vector_subcore>, window_params = [{transform_indices = #map}, {transform_indices = #map1}, {transform_indices = #map2}]} {
    %mul3A = arith.constant 2 : i32
    %mul3A_0 = arith.muli %arg1, %mul3A : i32
    %add3A = arith.addi %mul3A_0, %arg0 : i32
    %mul3A_1 = arith.constant 25600 : i32
    %mul3A_2 = arith.muli %add3A, %mul3A_1 : i32
    %mul3A_3 = arith.constant 100 : i32
    %mul3A_4 = arith.muli %add3A, %mul3A_3 : i32
    "tpu.region"() ({
      %run_scoped3A = tpu.sem_alloc : memref<!tpu.dma_semaphore, #tpu.memory_space<semaphore_mem>>
      %dma_start3A_527 = tpu.memref_slice %arg3[%mul3A_2] : memref<819200xi32, #tpu.memory_space<hbm>> -> memref<25600xi32, #tpu.memory_space<hbm>>
      %dma_start3A_528 = tpu.memref_slice %arg3[%mul3A_2] : memref<819200xi32, #tpu.memory_space<hbm>> -> memref<25600xi32, #tpu.memory_space<hbm>>
      tpu.enqueue_dma source(%dma_start3A_528 : memref<25600xi32, #tpu.memory_space<hbm>>) target(%arg5 : memref<25600xi32, #tpu.memory_space<vmem>>) target_semaphore(%run_scoped3A : memref<!tpu.dma_semaphore, #tpu.memory_space<semaphore_mem>>)
      %dma_wait3A_529 = tpu.memref_slice %arg3[%mul3A_2] : memref<819200xi32, #tpu.memory_space<hbm>> -> memref<25600xi32, #tpu.memory_space<hbm>>
      %dma_wait3A_530 = tpu.memref_slice %arg3[%mul3A_2] : memref<819200xi32, #tpu.memory_space<hbm>> -> memref<25600xi32, #tpu.memory_space<hbm>>
      tpu.wait_dma2 semaphore(%run_scoped3A : memref<!tpu.dma_semaphore, #tpu.memory_space<semaphore_mem>>) src(%dma_wait3A_530 : memref<25600xi32, #tpu.memory_space<hbm>>) dst(%arg5 : memref<25600xi32, #tpu.memory_space<vmem>>)
      tpu.yield
    }) : () -> ()
    %dma_start3A = arith.constant 0 : i32
    %dma_start3A_5 = arith.constant 0 : i32
    %dma_start3A_6 = arith.constant 0 : i32
    %dma_start3A_7 = tpu.memref_slice %arg6[%dma_start3A, %dma_start3A_5, %dma_start3A_6] : memref<4x256x64xf32, #tpu.memory_space<vmem>> -> memref<1x128x64xf32, #tpu.memory_space<vmem>>
    %dma_start3A_8 = tpu.memref_squeeze %dma_start3A_7 : memref<1x128x64xf32, #tpu.memory_space<vmem>> -> memref<128x64xf32, #tpu.memory_space<vmem>>
    %dma_start3A_9 = arith.constant 0 : i32
    %dma_start3A_10 = tpu.memref_slice %arg5[%dma_start3A_9] : memref<25600xi32, #tpu.memory_space<vmem>> -> memref<128xi32, #tpu.memory_space<vmem>>
    %dma_start3A_11 = arith.constant 0 : i32
    %dma_start3A_12 = arith.constant 0 : i32
    %dma_start3A_13 = tpu.memref_slice %arg2[%dma_start3A_11, %dma_start3A_12] : memref<1000000x64xf32, #tpu.memory_space<hbm>> -> memref<1000000x64xf32, #tpu.memory_space<hbm>>
    tpu.enqueue_indirect_dma source(%dma_start3A_13 : memref<1000000x64xf32, #tpu.memory_space<hbm>>) target(%dma_start3A_8 : memref<128x64xf32, #tpu.memory_space<vmem>>) offsets(%dma_start3A_10 : memref<128xi32, #tpu.memory_space<vmem>>) semaphore(%arg7 : memref<!tpu.dma_semaphore, #tpu.memory_space<semaphore_mem>>)
    %dma_start3A_14 = arith.constant 0 : i32
    %dma_start3A_15 = arith.constant 128 : i32
    %dma_start3A_16 = arith.constant 0 : i32
    %dma_start3A_17 = tpu.memref_slice %arg6[%dma_start3A_14, %dma_start3A_15, %dma_start3A_16] : memref<4x256x64xf32, #tpu.memory_space<vmem>> -> memref<1x128x64xf32, #tpu.memory_space<vmem>>
    %dma_start3A_18 = tpu.memref_squeeze %dma_start3A_17 : memref<1x128x64xf32, #tpu.memory_space<vmem>> -> memref<128x64xf32, #tpu.memory_space<vmem>>
    %dma_start3A_19 = arith.constant 128 : i32
    %dma_start3A_20 = tpu.memref_slice %arg5[%dma_start3A_19] : memref<25600xi32, #tpu.memory_space<vmem>> -> memref<128xi32, #tpu.memory_space<vmem>>
    %dma_start3A_21 = arith.constant 0 : i32
    %dma_start3A_22 = arith.constant 0 : i32
    %dma_start3A_23 = tpu.memref_slice %arg2[%dma_start3A_21, %dma_start3A_22] : memref<1000000x64xf32, #tpu.memory_space<hbm>> -> memref<1000000x64xf32, #tpu.memory_space<hbm>>
    tpu.enqueue_indirect_dma source(%dma_start3A_23 : memref<1000000x64xf32, #tpu.memory_space<hbm>>) target(%dma_start3A_18 : memref<128x64xf32, #tpu.memory_space<vmem>>) offsets(%dma_start3A_20 : memref<128xi32, #tpu.memory_space<vmem>>) semaphore(%arg7 : memref<!tpu.dma_semaphore, #tpu.memory_space<semaphore_mem>>)
    %dma_start3A_24 = arith.constant 1 : i32
    %dma_start3A_25 = arith.constant 0 : i32
    %dma_start3A_26 = arith.constant 0 : i32
    %dma_start3A_27 = tpu.memref_slice %arg6[%dma_start3A_24, %dma_start3A_25, %dma_start3A_26] : memref<4x256x64xf32, #tpu.memory_space<vmem>> -> memref<1x128x64xf32, #tpu.memory_space<vmem>>
    %dma_start3A_28 = tpu.memref_squeeze %dma_start3A_27 : memref<1x128x64xf32, #tpu.memory_space<vmem>> -> memref<128x64xf32, #tpu.memory_space<vmem>>
    %dma_start3A_29 = arith.constant 256 : i32
    %dma_start3A_30 = tpu.memref_slice %arg5[%dma_start3A_29] : memref<25600xi32, #tpu.memory_space<vmem>> -> memref<128xi32, #tpu.memory_space<vmem>>
    %dma_start3A_31 = arith.constant 0 : i32
    %dma_start3A_32 = arith.constant 0 : i32
    %dma_start3A_33 = tpu.memref_slice %arg2[%dma_start3A_31, %dma_start3A_32] : memref<1000000x64xf32, #tpu.memory_space<hbm>> -> memref<1000000x64xf32, #tpu.memory_space<hbm>>
    tpu.enqueue_indirect_dma source(%dma_start3A_33 : memref<1000000x64xf32, #tpu.memory_space<hbm>>) target(%dma_start3A_28 : memref<128x64xf32, #tpu.memory_space<vmem>>) offsets(%dma_start3A_30 : memref<128xi32, #tpu.memory_space<vmem>>) semaphore(%arg8 : memref<!tpu.dma_semaphore, #tpu.memory_space<semaphore_mem>>)
    %dma_start3A_34 = arith.constant 1 : i32
    %dma_start3A_35 = arith.constant 128 : i32
    %dma_start3A_36 = arith.constant 0 : i32
    %dma_start3A_37 = tpu.memref_slice %arg6[%dma_start3A_34, %dma_start3A_35, %dma_start3A_36] : memref<4x256x64xf32, #tpu.memory_space<vmem>> -> memref<1x128x64xf32, #tpu.memory_space<vmem>>
    %dma_start3A_38 = tpu.memref_squeeze %dma_start3A_37 : memref<1x128x64xf32, #tpu.memory_space<vmem>> -> memref<128x64xf32, #tpu.memory_space<vmem>>
    %dma_start3A_39 = arith.constant 384 : i32
    %dma_start3A_40 = tpu.memref_slice %arg5[%dma_start3A_39] : memref<25600xi32, #tpu.memory_space<vmem>> -> memref<128xi32, #tpu.memory_space<vmem>>
    %dma_start3A_41 = arith.constant 0 : i32
    %dma_start3A_42 = arith.constant 0 : i32
    %dma_start3A_43 = tpu.memref_slice %arg2[%dma_start3A_41, %dma_start3A_42] : memref<1000000x64xf32, #tpu.memory_space<hbm>> -> memref<1000000x64xf32, #tpu.memory_space<hbm>>
    tpu.enqueue_indirect_dma source(%dma_start3A_43 : memref<1000000x64xf32, #tpu.memory_space<hbm>>) target(%dma_start3A_38 : memref<128x64xf32, #tpu.memory_space<vmem>>) offsets(%dma_start3A_40 : memref<128xi32, #tpu.memory_space<vmem>>) semaphore(%arg8 : memref<!tpu.dma_semaphore, #tpu.memory_space<semaphore_mem>>)
    %dma_start3A_44 = arith.constant 2 : i32
    %dma_start3A_45 = arith.constant 0 : i32
    %dma_start3A_46 = arith.constant 0 : i32
    %dma_start3A_47 = tpu.memref_slice %arg6[%dma_start3A_44, %dma_start3A_45, %dma_start3A_46] : memref<4x256x64xf32, #tpu.memory_space<vmem>> -> memref<1x128x64xf32, #tpu.memory_space<vmem>>
    %dma_start3A_48 = tpu.memref_squeeze %dma_start3A_47 : memref<1x128x64xf32, #tpu.memory_space<vmem>> -> memref<128x64xf32, #tpu.memory_space<vmem>>
    %dma_start3A_49 = arith.constant 512 : i32
    %dma_start3A_50 = tpu.memref_slice %arg5[%dma_start3A_49] : memref<25600xi32, #tpu.memory_space<vmem>> -> memref<128xi32, #tpu.memory_space<vmem>>
    %dma_start3A_51 = arith.constant 0 : i32
    %dma_start3A_52 = arith.constant 0 : i32
    %dma_start3A_53 = tpu.memref_slice %arg2[%dma_start3A_51, %dma_start3A_52] : memref<1000000x64xf32, #tpu.memory_space<hbm>> -> memref<1000000x64xf32, #tpu.memory_space<hbm>>
    tpu.enqueue_indirect_dma source(%dma_start3A_53 : memref<1000000x64xf32, #tpu.memory_space<hbm>>) target(%dma_start3A_48 : memref<128x64xf32, #tpu.memory_space<vmem>>) offsets(%dma_start3A_50 : memref<128xi32, #tpu.memory_space<vmem>>) semaphore(%arg9 : memref<!tpu.dma_semaphore, #tpu.memory_space<semaphore_mem>>)
    %dma_start3A_54 = arith.constant 2 : i32
    %dma_start3A_55 = arith.constant 128 : i32
    %dma_start3A_56 = arith.constant 0 : i32
    %dma_start3A_57 = tpu.memref_slice %arg6[%dma_start3A_54, %dma_start3A_55, %dma_start3A_56] : memref<4x256x64xf32, #tpu.memory_space<vmem>> -> memref<1x128x64xf32, #tpu.memory_space<vmem>>
    %dma_start3A_58 = tpu.memref_squeeze %dma_start3A_57 : memref<1x128x64xf32, #tpu.memory_space<vmem>> -> memref<128x64xf32, #tpu.memory_space<vmem>>
    %dma_start3A_59 = arith.constant 640 : i32
    %dma_start3A_60 = tpu.memref_slice %arg5[%dma_start3A_59] : memref<25600xi32, #tpu.memory_space<vmem>> -> memref<128xi32, #tpu.memory_space<vmem>>
    %dma_start3A_61 = arith.constant 0 : i32
    %dma_start3A_62 = arith.constant 0 : i32
    %dma_start3A_63 = tpu.memref_slice %arg2[%dma_start3A_61, %dma_start3A_62] : memref<1000000x64xf32, #tpu.memory_space<hbm>> -> memref<1000000x64xf32, #tpu.memory_space<hbm>>
    tpu.enqueue_indirect_dma source(%dma_start3A_63 : memref<1000000x64xf32, #tpu.memory_space<hbm>>) target(%dma_start3A_58 : memref<128x64xf32, #tpu.memory_space<vmem>>) offsets(%dma_start3A_60 : memref<128xi32, #tpu.memory_space<vmem>>) semaphore(%arg9 : memref<!tpu.dma_semaphore, #tpu.memory_space<semaphore_mem>>)
    %dma_start3A_64 = arith.constant 3 : i32
    %dma_start3A_65 = arith.constant 0 : i32
    %dma_start3A_66 = arith.constant 0 : i32
    %dma_start3A_67 = tpu.memref_slice %arg6[%dma_start3A_64, %dma_start3A_65, %dma_start3A_66] : memref<4x256x64xf32, #tpu.memory_space<vmem>> -> memref<1x128x64xf32, #tpu.memory_space<vmem>>
    %dma_start3A_68 = tpu.memref_squeeze %dma_start3A_67 : memref<1x128x64xf32, #tpu.memory_space<vmem>> -> memref<128x64xf32, #tpu.memory_space<vmem>>
    %dma_start3A_69 = arith.constant 768 : i32
    %dma_start3A_70 = tpu.memref_slice %arg5[%dma_start3A_69] : memref<25600xi32, #tpu.memory_space<vmem>> -> memref<128xi32, #tpu.memory_space<vmem>>
    %dma_start3A_71 = arith.constant 0 : i32
    %dma_start3A_72 = arith.constant 0 : i32
    %dma_start3A_73 = tpu.memref_slice %arg2[%dma_start3A_71, %dma_start3A_72] : memref<1000000x64xf32, #tpu.memory_space<hbm>> -> memref<1000000x64xf32, #tpu.memory_space<hbm>>
    tpu.enqueue_indirect_dma source(%dma_start3A_73 : memref<1000000x64xf32, #tpu.memory_space<hbm>>) target(%dma_start3A_68 : memref<128x64xf32, #tpu.memory_space<vmem>>) offsets(%dma_start3A_70 : memref<128xi32, #tpu.memory_space<vmem>>) semaphore(%arg10 : memref<!tpu.dma_semaphore, #tpu.memory_space<semaphore_mem>>)
    %dma_start3A_74 = arith.constant 3 : i32
    %dma_start3A_75 = arith.constant 128 : i32
    %dma_start3A_76 = arith.constant 0 : i32
    %dma_start3A_77 = tpu.memref_slice %arg6[%dma_start3A_74, %dma_start3A_75, %dma_start3A_76] : memref<4x256x64xf32, #tpu.memory_space<vmem>> -> memref<1x128x64xf32, #tpu.memory_space<vmem>>
    %dma_start3A_78 = tpu.memref_squeeze %dma_start3A_77 : memref<1x128x64xf32, #tpu.memory_space<vmem>> -> memref<128x64xf32, #tpu.memory_space<vmem>>
    %dma_start3A_79 = arith.constant 896 : i32
    %dma_start3A_80 = tpu.memref_slice %arg5[%dma_start3A_79] : memref<25600xi32, #tpu.memory_space<vmem>> -> memref<128xi32, #tpu.memory_space<vmem>>
    %dma_start3A_81 = arith.constant 0 : i32
    %dma_start3A_82 = arith.constant 0 : i32
    %dma_start3A_83 = tpu.memref_slice %arg2[%dma_start3A_81, %dma_start3A_82] : memref<1000000x64xf32, #tpu.memory_space<hbm>> -> memref<1000000x64xf32, #tpu.memory_space<hbm>>
    tpu.enqueue_indirect_dma source(%dma_start3A_83 : memref<1000000x64xf32, #tpu.memory_space<hbm>>) target(%dma_start3A_78 : memref<128x64xf32, #tpu.memory_space<vmem>>) offsets(%dma_start3A_80 : memref<128xi32, #tpu.memory_space<vmem>>) semaphore(%arg10 : memref<!tpu.dma_semaphore, #tpu.memory_space<semaphore_mem>>)
    %dma_wait3A = arith.constant 0 : i32
    %dma_wait3A_84 = arith.constant 0 : i32
    %dma_wait3A_85 = arith.constant 0 : i32
    %dma_wait3A_86 = tpu.memref_slice %arg6[%dma_wait3A, %dma_wait3A_84, %dma_wait3A_85] : memref<4x256x64xf32, #tpu.memory_space<vmem>> -> memref<1x128x64xf32, #tpu.memory_space<vmem>>
    %dma_wait3A_87 = tpu.memref_squeeze %dma_wait3A_86 : memref<1x128x64xf32, #tpu.memory_space<vmem>> -> memref<128x64xf32, #tpu.memory_space<vmem>>
    %dma_wait3A_88 = arith.constant 0 : i32
    %dma_wait3A_89 = tpu.memref_slice %arg5[%dma_wait3A_88] : memref<25600xi32, #tpu.memory_space<vmem>> -> memref<128xi32, #tpu.memory_space<vmem>>
    %dma_wait3A_90 = arith.constant 0 : i32
    %dma_wait3A_91 = arith.constant 0 : i32
    %dma_wait3A_92 = tpu.memref_slice %arg2[%dma_wait3A_90, %dma_wait3A_91] : memref<1000000x64xf32, #tpu.memory_space<hbm>> -> memref<1000000x64xf32, #tpu.memory_space<hbm>>
    tpu.wait_indirect_dma semaphore(%arg7 : memref<!tpu.dma_semaphore, #tpu.memory_space<semaphore_mem>>) src(%dma_wait3A_92 : memref<1000000x64xf32, #tpu.memory_space<hbm>>) dst(%dma_wait3A_87 : memref<128x64xf32, #tpu.memory_space<vmem>>)
    %dma_wait3A_93 = arith.constant 0 : i32
    %dma_wait3A_94 = arith.constant 128 : i32
    %dma_wait3A_95 = arith.constant 0 : i32
    %dma_wait3A_96 = tpu.memref_slice %arg6[%dma_wait3A_93, %dma_wait3A_94, %dma_wait3A_95] : memref<4x256x64xf32, #tpu.memory_space<vmem>> -> memref<1x128x64xf32, #tpu.memory_space<vmem>>
    %dma_wait3A_97 = tpu.memref_squeeze %dma_wait3A_96 : memref<1x128x64xf32, #tpu.memory_space<vmem>> -> memref<128x64xf32, #tpu.memory_space<vmem>>
    %dma_wait3A_98 = arith.constant 128 : i32
    %dma_wait3A_99 = tpu.memref_slice %arg5[%dma_wait3A_98] : memref<25600xi32, #tpu.memory_space<vmem>> -> memref<128xi32, #tpu.memory_space<vmem>>
    %dma_wait3A_100 = arith.constant 0 : i32
    %dma_wait3A_101 = arith.constant 0 : i32
    %dma_wait3A_102 = tpu.memref_slice %arg2[%dma_wait3A_100, %dma_wait3A_101] : memref<1000000x64xf32, #tpu.memory_space<hbm>> -> memref<1000000x64xf32, #tpu.memory_space<hbm>>
    tpu.wait_indirect_dma semaphore(%arg7 : memref<!tpu.dma_semaphore, #tpu.memory_space<semaphore_mem>>) src(%dma_wait3A_102 : memref<1000000x64xf32, #tpu.memory_space<hbm>>) dst(%dma_wait3A_97 : memref<128x64xf32, #tpu.memory_space<vmem>>)
    %add3A_103 = arith.constant 0 : i32
    %add3A_104 = arith.addi %mul3A_4, %add3A_103 : i32
    %jit3A = arith.constant 64 : i32
    %div3A = arith.divsi %add3A_104, %jit3A : i32
    %sign3A = arith.constant 0 : i32
    %sign3A_105 = arith.cmpi sgt, %add3A_104, %sign3A : i32
    %sign3A_106 = arith.extui %sign3A_105 : i1 to i32
    %sign3A_107 = arith.constant 0 : i32
    %sign3A_108 = arith.cmpi slt, %add3A_104, %sign3A_107 : i32
    %sign3A_109 = arith.extui %sign3A_108 : i1 to i32
    %sign3A_110 = arith.subi %sign3A_106, %sign3A_109 : i32
    %sign3A_111 = arith.constant 0 : i32
    %sign3A_112 = arith.cmpi sgt, %jit3A, %sign3A_111 : i32
    %sign3A_113 = arith.extui %sign3A_112 : i1 to i32
    %sign3A_114 = arith.constant 0 : i32
    %sign3A_115 = arith.cmpi slt, %jit3A, %sign3A_114 : i32
    %sign3A_116 = arith.extui %sign3A_115 : i1 to i32
    %sign3A_117 = arith.subi %sign3A_113, %sign3A_116 : i32
    %ne3A = arith.cmpi ne, %sign3A_110, %sign3A_117 : i32
    %rem3A = arith.remsi %add3A_104, %jit3A : i32
    %ne3A_118 = arith.constant 0 : i32
    %ne3A_119 = arith.cmpi ne, %rem3A, %ne3A_118 : i32
    %and3A = arith.andi %ne3A, %ne3A_119 : i1
    %sub3A = arith.constant 1 : i32
    %sub3A_120 = arith.subi %div3A, %sub3A : i32
    %select_n3A = arith.select %and3A, %sub3A_120, %div3A : i32
    %mul3A_121 = arith.constant 64 : i32
    %mul3A_122 = arith.muli %select_n3A, %mul3A_121 : i32
    %sub3A_123 = arith.subi %add3A_104, %mul3A_122 : i32
    %mul3A_124 = arith.constant 256 : i32
    %mul3A_125 = arith.muli %sub3A_123, %mul3A_124 : i32
    %dma_start3A_126 = arith.constant 0 : i32
    %dma_start3A_127 = arith.constant 0 : i32
    %dma_start3A_128 = arith.constant 0 : i32
    %dma_start3A_129 = tpu.memref_slice %arg6[%dma_start3A_126, %dma_start3A_127, %dma_start3A_128] : memref<4x256x64xf32, #tpu.memory_space<vmem>> -> memref<1x256x64xf32, #tpu.memory_space<vmem>>
    %dma_start3A_130 = tpu.memref_squeeze %dma_start3A_129 : memref<1x256x64xf32, #tpu.memory_space<vmem>> -> memref<256x64xf32, #tpu.memory_space<vmem>>
    %dma_start3A_131 = arith.constant 0 : i32
    %dma_start3A_132 = tpu.memref_slice %arg4[%select_n3A, %mul3A_125, %dma_start3A_131] : memref<50x16384x64xf32, #tpu.memory_space<hbm>> -> memref<1x256x64xf32, #tpu.memory_space<hbm>>
    %dma_start3A_133 = tpu.memref_squeeze %dma_start3A_132 : memref<1x256x64xf32, #tpu.memory_space<hbm>> -> memref<256x64xf32, #tpu.memory_space<hbm>>
    %dma_start3A_134 = arith.constant 0 : i32
    %dma_start3A_135 = tpu.memref_slice %arg4[%select_n3A, %mul3A_125, %dma_start3A_134] : memref<50x16384x64xf32, #tpu.memory_space<hbm>> -> memref<1x256x64xf32, #tpu.memory_space<hbm>>
    %dma_start3A_136 = tpu.memref_squeeze %dma_start3A_135 : memref<1x256x64xf32, #tpu.memory_space<hbm>> -> memref<256x64xf32, #tpu.memory_space<hbm>>
    %dma_start3A_137 = arith.constant 0 : i32
    %dma_start3A_138 = arith.constant 0 : i32
    %dma_start3A_139 = tpu.memref_slice %arg6[%dma_start3A_126, %dma_start3A_137, %dma_start3A_138] : memref<4x256x64xf32, #tpu.memory_space<vmem>> -> memref<1x256x64xf32, #tpu.memory_space<vmem>>
    %dma_start3A_140 = tpu.memref_squeeze %dma_start3A_139 : memref<1x256x64xf32, #tpu.memory_space<vmem>> -> memref<256x64xf32, #tpu.memory_space<vmem>>
    tpu.enqueue_dma source(%dma_start3A_140 : memref<256x64xf32, #tpu.memory_space<vmem>>) target(%dma_start3A_136 : memref<256x64xf32, #tpu.memory_space<hbm>>) target_semaphore(%arg11 : memref<!tpu.dma_semaphore, #tpu.memory_space<semaphore_mem>>)
    %dma_wait3A_141 = arith.constant 1 : i32
    %dma_wait3A_142 = arith.constant 0 : i32
    %dma_wait3A_143 = arith.constant 0 : i32
    %dma_wait3A_144 = tpu.memref_slice %arg6[%dma_wait3A_141, %dma_wait3A_142, %dma_wait3A_143] : memref<4x256x64xf32, #tpu.memory_space<vmem>> -> memref<1x128x64xf32, #tpu.memory_space<vmem>>
    %dma_wait3A_145 = tpu.memref_squeeze %dma_wait3A_144 : memref<1x128x64xf32, #tpu.memory_space<vmem>> -> memref<128x64xf32, #tpu.memory_space<vmem>>
    %dma_wait3A_146 = arith.constant 256 : i32
    %dma_wait3A_147 = tpu.memref_slice %arg5[%dma_wait3A_146] : memref<25600xi32, #tpu.memory_space<vmem>> -> memref<128xi32, #tpu.memory_space<vmem>>
    %dma_wait3A_148 = arith.constant 0 : i32
    %dma_wait3A_149 = arith.constant 0 : i32
    %dma_wait3A_150 = tpu.memref_slice %arg2[%dma_wait3A_148, %dma_wait3A_149] : memref<1000000x64xf32, #tpu.memory_space<hbm>> -> memref<1000000x64xf32, #tpu.memory_space<hbm>>
    tpu.wait_indirect_dma semaphore(%arg8 : memref<!tpu.dma_semaphore, #tpu.memory_space<semaphore_mem>>) src(%dma_wait3A_150 : memref<1000000x64xf32, #tpu.memory_space<hbm>>) dst(%dma_wait3A_145 : memref<128x64xf32, #tpu.memory_space<vmem>>)
    %dma_wait3A_151 = arith.constant 1 : i32
    %dma_wait3A_152 = arith.constant 128 : i32
    %dma_wait3A_153 = arith.constant 0 : i32
    %dma_wait3A_154 = tpu.memref_slice %arg6[%dma_wait3A_151, %dma_wait3A_152, %dma_wait3A_153] : memref<4x256x64xf32, #tpu.memory_space<vmem>> -> memref<1x128x64xf32, #tpu.memory_space<vmem>>
    %dma_wait3A_155 = tpu.memref_squeeze %dma_wait3A_154 : memref<1x128x64xf32, #tpu.memory_space<vmem>> -> memref<128x64xf32, #tpu.memory_space<vmem>>
    %dma_wait3A_156 = arith.constant 384 : i32
    %dma_wait3A_157 = tpu.memref_slice %arg5[%dma_wait3A_156] : memref<25600xi32, #tpu.memory_space<vmem>> -> memref<128xi32, #tpu.memory_space<vmem>>
    %dma_wait3A_158 = arith.constant 0 : i32
    %dma_wait3A_159 = arith.constant 0 : i32
    %dma_wait3A_160 = tpu.memref_slice %arg2[%dma_wait3A_158, %dma_wait3A_159] : memref<1000000x64xf32, #tpu.memory_space<hbm>> -> memref<1000000x64xf32, #tpu.memory_space<hbm>>
    tpu.wait_indirect_dma semaphore(%arg8 : memref<!tpu.dma_semaphore, #tpu.memory_space<semaphore_mem>>) src(%dma_wait3A_160 : memref<1000000x64xf32, #tpu.memory_space<hbm>>) dst(%dma_wait3A_155 : memref<128x64xf32, #tpu.memory_space<vmem>>)
    %add3A_161 = arith.constant 1 : i32
    %add3A_162 = arith.addi %mul3A_4, %add3A_161 : i32
    %jit3A_163 = arith.constant 64 : i32
    %div3A_164 = arith.divsi %add3A_162, %jit3A_163 : i32
    %sign3A_165 = arith.constant 0 : i32
    %sign3A_166 = arith.cmpi sgt, %add3A_162, %sign3A_165 : i32
    %sign3A_167 = arith.extui %sign3A_166 : i1 to i32
    %sign3A_168 = arith.constant 0 : i32
    %sign3A_169 = arith.cmpi slt, %add3A_162, %sign3A_168 : i32
    %sign3A_170 = arith.extui %sign3A_169 : i1 to i32
    %sign3A_171 = arith.subi %sign3A_167, %sign3A_170 : i32
    %sign3A_172 = arith.constant 0 : i32
    %sign3A_173 = arith.cmpi sgt, %jit3A_163, %sign3A_172 : i32
    %sign3A_174 = arith.extui %sign3A_173 : i1 to i32
    %sign3A_175 = arith.constant 0 : i32
    %sign3A_176 = arith.cmpi slt, %jit3A_163, %sign3A_175 : i32
    %sign3A_177 = arith.extui %sign3A_176 : i1 to i32
    %sign3A_178 = arith.subi %sign3A_174, %sign3A_177 : i32
    %ne3A_179 = arith.cmpi ne, %sign3A_171, %sign3A_178 : i32
    %rem3A_180 = arith.remsi %add3A_162, %jit3A_163 : i32
    %ne3A_181 = arith.constant 0 : i32
    %ne3A_182 = arith.cmpi ne, %rem3A_180, %ne3A_181 : i32
    %and3A_183 = arith.andi %ne3A_179, %ne3A_182 : i1
    %sub3A_184 = arith.constant 1 : i32
    %sub3A_185 = arith.subi %div3A_164, %sub3A_184 : i32
    %select_n3A_186 = arith.select %and3A_183, %sub3A_185, %div3A_164 : i32
    %mul3A_187 = arith.constant 64 : i32
    %mul3A_188 = arith.muli %select_n3A_186, %mul3A_187 : i32
    %sub3A_189 = arith.subi %add3A_162, %mul3A_188 : i32
    %mul3A_190 = arith.constant 256 : i32
    %mul3A_191 = arith.muli %sub3A_189, %mul3A_190 : i32
    %dma_start3A_192 = arith.constant 1 : i32
    %dma_start3A_193 = arith.constant 0 : i32
    %dma_start3A_194 = arith.constant 0 : i32
    %dma_start3A_195 = tpu.memref_slice %arg6[%dma_start3A_192, %dma_start3A_193, %dma_start3A_194] : memref<4x256x64xf32, #tpu.memory_space<vmem>> -> memref<1x256x64xf32, #tpu.memory_space<vmem>>
    %dma_start3A_196 = tpu.memref_squeeze %dma_start3A_195 : memref<1x256x64xf32, #tpu.memory_space<vmem>> -> memref<256x64xf32, #tpu.memory_space<vmem>>
    %dma_start3A_197 = arith.constant 0 : i32
    %dma_start3A_198 = tpu.memref_slice %arg4[%select_n3A_186, %mul3A_191, %dma_start3A_197] : memref<50x16384x64xf32, #tpu.memory_space<hbm>> -> memref<1x256x64xf32, #tpu.memory_space<hbm>>
    %dma_start3A_199 = tpu.memref_squeeze %dma_start3A_198 : memref<1x256x64xf32, #tpu.memory_space<hbm>> -> memref<256x64xf32, #tpu.memory_space<hbm>>
    %dma_start3A_200 = arith.constant 0 : i32
    %dma_start3A_201 = tpu.memref_slice %arg4[%select_n3A_186, %mul3A_191, %dma_start3A_200] : memref<50x16384x64xf32, #tpu.memory_space<hbm>> -> memref<1x256x64xf32, #tpu.memory_space<hbm>>
    %dma_start3A_202 = tpu.memref_squeeze %dma_start3A_201 : memref<1x256x64xf32, #tpu.memory_space<hbm>> -> memref<256x64xf32, #tpu.memory_space<hbm>>
    %dma_start3A_203 = arith.constant 0 : i32
    %dma_start3A_204 = arith.constant 0 : i32
    %dma_start3A_205 = tpu.memref_slice %arg6[%dma_start3A_192, %dma_start3A_203, %dma_start3A_204] : memref<4x256x64xf32, #tpu.memory_space<vmem>> -> memref<1x256x64xf32, #tpu.memory_space<vmem>>
    %dma_start3A_206 = tpu.memref_squeeze %dma_start3A_205 : memref<1x256x64xf32, #tpu.memory_space<vmem>> -> memref<256x64xf32, #tpu.memory_space<vmem>>
    tpu.enqueue_dma source(%dma_start3A_206 : memref<256x64xf32, #tpu.memory_space<vmem>>) target(%dma_start3A_202 : memref<256x64xf32, #tpu.memory_space<hbm>>) target_semaphore(%arg12 : memref<!tpu.dma_semaphore, #tpu.memory_space<semaphore_mem>>)
    %dma_wait3A_207 = arith.constant 2 : i32
    %dma_wait3A_208 = arith.constant 0 : i32
    %dma_wait3A_209 = arith.constant 0 : i32
    %dma_wait3A_210 = tpu.memref_slice %arg6[%dma_wait3A_207, %dma_wait3A_208, %dma_wait3A_209] : memref<4x256x64xf32, #tpu.memory_space<vmem>> -> memref<1x128x64xf32, #tpu.memory_space<vmem>>
    %dma_wait3A_211 = tpu.memref_squeeze %dma_wait3A_210 : memref<1x128x64xf32, #tpu.memory_space<vmem>> -> memref<128x64xf32, #tpu.memory_space<vmem>>
    %dma_wait3A_212 = arith.constant 512 : i32
    %dma_wait3A_213 = tpu.memref_slice %arg5[%dma_wait3A_212] : memref<25600xi32, #tpu.memory_space<vmem>> -> memref<128xi32, #tpu.memory_space<vmem>>
    %dma_wait3A_214 = arith.constant 0 : i32
    %dma_wait3A_215 = arith.constant 0 : i32
    %dma_wait3A_216 = tpu.memref_slice %arg2[%dma_wait3A_214, %dma_wait3A_215] : memref<1000000x64xf32, #tpu.memory_space<hbm>> -> memref<1000000x64xf32, #tpu.memory_space<hbm>>
    tpu.wait_indirect_dma semaphore(%arg9 : memref<!tpu.dma_semaphore, #tpu.memory_space<semaphore_mem>>) src(%dma_wait3A_216 : memref<1000000x64xf32, #tpu.memory_space<hbm>>) dst(%dma_wait3A_211 : memref<128x64xf32, #tpu.memory_space<vmem>>)
    %dma_wait3A_217 = arith.constant 2 : i32
    %dma_wait3A_218 = arith.constant 128 : i32
    %dma_wait3A_219 = arith.constant 0 : i32
    %dma_wait3A_220 = tpu.memref_slice %arg6[%dma_wait3A_217, %dma_wait3A_218, %dma_wait3A_219] : memref<4x256x64xf32, #tpu.memory_space<vmem>> -> memref<1x128x64xf32, #tpu.memory_space<vmem>>
    %dma_wait3A_221 = tpu.memref_squeeze %dma_wait3A_220 : memref<1x128x64xf32, #tpu.memory_space<vmem>> -> memref<128x64xf32, #tpu.memory_space<vmem>>
    %dma_wait3A_222 = arith.constant 640 : i32
    %dma_wait3A_223 = tpu.memref_slice %arg5[%dma_wait3A_222] : memref<25600xi32, #tpu.memory_space<vmem>> -> memref<128xi32, #tpu.memory_space<vmem>>
    %dma_wait3A_224 = arith.constant 0 : i32
    %dma_wait3A_225 = arith.constant 0 : i32
    %dma_wait3A_226 = tpu.memref_slice %arg2[%dma_wait3A_224, %dma_wait3A_225] : memref<1000000x64xf32, #tpu.memory_space<hbm>> -> memref<1000000x64xf32, #tpu.memory_space<hbm>>
    tpu.wait_indirect_dma semaphore(%arg9 : memref<!tpu.dma_semaphore, #tpu.memory_space<semaphore_mem>>) src(%dma_wait3A_226 : memref<1000000x64xf32, #tpu.memory_space<hbm>>) dst(%dma_wait3A_221 : memref<128x64xf32, #tpu.memory_space<vmem>>)
    %add3A_227 = arith.constant 2 : i32
    %add3A_228 = arith.addi %mul3A_4, %add3A_227 : i32
    %jit3A_229 = arith.constant 64 : i32
    %div3A_230 = arith.divsi %add3A_228, %jit3A_229 : i32
    %sign3A_231 = arith.constant 0 : i32
    %sign3A_232 = arith.cmpi sgt, %add3A_228, %sign3A_231 : i32
    %sign3A_233 = arith.extui %sign3A_232 : i1 to i32
    %sign3A_234 = arith.constant 0 : i32
    %sign3A_235 = arith.cmpi slt, %add3A_228, %sign3A_234 : i32
    %sign3A_236 = arith.extui %sign3A_235 : i1 to i32
    %sign3A_237 = arith.subi %sign3A_233, %sign3A_236 : i32
    %sign3A_238 = arith.constant 0 : i32
    %sign3A_239 = arith.cmpi sgt, %jit3A_229, %sign3A_238 : i32
    %sign3A_240 = arith.extui %sign3A_239 : i1 to i32
    %sign3A_241 = arith.constant 0 : i32
    %sign3A_242 = arith.cmpi slt, %jit3A_229, %sign3A_241 : i32
    %sign3A_243 = arith.extui %sign3A_242 : i1 to i32
    %sign3A_244 = arith.subi %sign3A_240, %sign3A_243 : i32
    %ne3A_245 = arith.cmpi ne, %sign3A_237, %sign3A_244 : i32
    %rem3A_246 = arith.remsi %add3A_228, %jit3A_229 : i32
    %ne3A_247 = arith.constant 0 : i32
    %ne3A_248 = arith.cmpi ne, %rem3A_246, %ne3A_247 : i32
    %and3A_249 = arith.andi %ne3A_245, %ne3A_248 : i1
    %sub3A_250 = arith.constant 1 : i32
    %sub3A_251 = arith.subi %div3A_230, %sub3A_250 : i32
    %select_n3A_252 = arith.select %and3A_249, %sub3A_251, %div3A_230 : i32
    %mul3A_253 = arith.constant 64 : i32
    %mul3A_254 = arith.muli %select_n3A_252, %mul3A_253 : i32
    %sub3A_255 = arith.subi %add3A_228, %mul3A_254 : i32
    %mul3A_256 = arith.constant 256 : i32
    %mul3A_257 = arith.muli %sub3A_255, %mul3A_256 : i32
    %dma_start3A_258 = arith.constant 2 : i32
    %dma_start3A_259 = arith.constant 0 : i32
    %dma_start3A_260 = arith.constant 0 : i32
    %dma_start3A_261 = tpu.memref_slice %arg6[%dma_start3A_258, %dma_start3A_259, %dma_start3A_260] : memref<4x256x64xf32, #tpu.memory_space<vmem>> -> memref<1x256x64xf32, #tpu.memory_space<vmem>>
    %dma_start3A_262 = tpu.memref_squeeze %dma_start3A_261 : memref<1x256x64xf32, #tpu.memory_space<vmem>> -> memref<256x64xf32, #tpu.memory_space<vmem>>
    %dma_start3A_263 = arith.constant 0 : i32
    %dma_start3A_264 = tpu.memref_slice %arg4[%select_n3A_252, %mul3A_257, %dma_start3A_263] : memref<50x16384x64xf32, #tpu.memory_space<hbm>> -> memref<1x256x64xf32, #tpu.memory_space<hbm>>
    %dma_start3A_265 = tpu.memref_squeeze %dma_start3A_264 : memref<1x256x64xf32, #tpu.memory_space<hbm>> -> memref<256x64xf32, #tpu.memory_space<hbm>>
    %dma_start3A_266 = arith.constant 0 : i32
    %dma_start3A_267 = tpu.memref_slice %arg4[%select_n3A_252, %mul3A_257, %dma_start3A_266] : memref<50x16384x64xf32, #tpu.memory_space<hbm>> -> memref<1x256x64xf32, #tpu.memory_space<hbm>>
    %dma_start3A_268 = tpu.memref_squeeze %dma_start3A_267 : memref<1x256x64xf32, #tpu.memory_space<hbm>> -> memref<256x64xf32, #tpu.memory_space<hbm>>
    %dma_start3A_269 = arith.constant 0 : i32
    %dma_start3A_270 = arith.constant 0 : i32
    %dma_start3A_271 = tpu.memref_slice %arg6[%dma_start3A_258, %dma_start3A_269, %dma_start3A_270] : memref<4x256x64xf32, #tpu.memory_space<vmem>> -> memref<1x256x64xf32, #tpu.memory_space<vmem>>
    %dma_start3A_272 = tpu.memref_squeeze %dma_start3A_271 : memref<1x256x64xf32, #tpu.memory_space<vmem>> -> memref<256x64xf32, #tpu.memory_space<vmem>>
    tpu.enqueue_dma source(%dma_start3A_272 : memref<256x64xf32, #tpu.memory_space<vmem>>) target(%dma_start3A_268 : memref<256x64xf32, #tpu.memory_space<hbm>>) target_semaphore(%arg13 : memref<!tpu.dma_semaphore, #tpu.memory_space<semaphore_mem>>)
    %dma_wait3A_273 = arith.constant 3 : i32
    %dma_wait3A_274 = arith.constant 0 : i32
    %dma_wait3A_275 = arith.constant 0 : i32
    %dma_wait3A_276 = tpu.memref_slice %arg6[%dma_wait3A_273, %dma_wait3A_274, %dma_wait3A_275] : memref<4x256x64xf32, #tpu.memory_space<vmem>> -> memref<1x128x64xf32, #tpu.memory_space<vmem>>
    %dma_wait3A_277 = tpu.memref_squeeze %dma_wait3A_276 : memref<1x128x64xf32, #tpu.memory_space<vmem>> -> memref<128x64xf32, #tpu.memory_space<vmem>>
    %dma_wait3A_278 = arith.constant 768 : i32
    %dma_wait3A_279 = tpu.memref_slice %arg5[%dma_wait3A_278] : memref<25600xi32, #tpu.memory_space<vmem>> -> memref<128xi32, #tpu.memory_space<vmem>>
    %dma_wait3A_280 = arith.constant 0 : i32
    %dma_wait3A_281 = arith.constant 0 : i32
    %dma_wait3A_282 = tpu.memref_slice %arg2[%dma_wait3A_280, %dma_wait3A_281] : memref<1000000x64xf32, #tpu.memory_space<hbm>> -> memref<1000000x64xf32, #tpu.memory_space<hbm>>
    tpu.wait_indirect_dma semaphore(%arg10 : memref<!tpu.dma_semaphore, #tpu.memory_space<semaphore_mem>>) src(%dma_wait3A_282 : memref<1000000x64xf32, #tpu.memory_space<hbm>>) dst(%dma_wait3A_277 : memref<128x64xf32, #tpu.memory_space<vmem>>)
    %dma_wait3A_283 = arith.constant 3 : i32
    %dma_wait3A_284 = arith.constant 128 : i32
    %dma_wait3A_285 = arith.constant 0 : i32
    %dma_wait3A_286 = tpu.memref_slice %arg6[%dma_wait3A_283, %dma_wait3A_284, %dma_wait3A_285] : memref<4x256x64xf32, #tpu.memory_space<vmem>> -> memref<1x128x64xf32, #tpu.memory_space<vmem>>
    %dma_wait3A_287 = tpu.memref_squeeze %dma_wait3A_286 : memref<1x128x64xf32, #tpu.memory_space<vmem>> -> memref<128x64xf32, #tpu.memory_space<vmem>>
    %dma_wait3A_288 = arith.constant 896 : i32
    %dma_wait3A_289 = tpu.memref_slice %arg5[%dma_wait3A_288] : memref<25600xi32, #tpu.memory_space<vmem>> -> memref<128xi32, #tpu.memory_space<vmem>>
    %dma_wait3A_290 = arith.constant 0 : i32
    %dma_wait3A_291 = arith.constant 0 : i32
    %dma_wait3A_292 = tpu.memref_slice %arg2[%dma_wait3A_290, %dma_wait3A_291] : memref<1000000x64xf32, #tpu.memory_space<hbm>> -> memref<1000000x64xf32, #tpu.memory_space<hbm>>
    tpu.wait_indirect_dma semaphore(%arg10 : memref<!tpu.dma_semaphore, #tpu.memory_space<semaphore_mem>>) src(%dma_wait3A_292 : memref<1000000x64xf32, #tpu.memory_space<hbm>>) dst(%dma_wait3A_287 : memref<128x64xf32, #tpu.memory_space<vmem>>)
    %add3A_293 = arith.constant 3 : i32
    %add3A_294 = arith.addi %mul3A_4, %add3A_293 : i32
    %jit3A_295 = arith.constant 64 : i32
    %div3A_296 = arith.divsi %add3A_294, %jit3A_295 : i32
    %sign3A_297 = arith.constant 0 : i32
    %sign3A_298 = arith.cmpi sgt, %add3A_294, %sign3A_297 : i32
    %sign3A_299 = arith.extui %sign3A_298 : i1 to i32
    %sign3A_300 = arith.constant 0 : i32
    %sign3A_301 = arith.cmpi slt, %add3A_294, %sign3A_300 : i32
    %sign3A_302 = arith.extui %sign3A_301 : i1 to i32
    %sign3A_303 = arith.subi %sign3A_299, %sign3A_302 : i32
    %sign3A_304 = arith.constant 0 : i32
    %sign3A_305 = arith.cmpi sgt, %jit3A_295, %sign3A_304 : i32
    %sign3A_306 = arith.extui %sign3A_305 : i1 to i32
    %sign3A_307 = arith.constant 0 : i32
    %sign3A_308 = arith.cmpi slt, %jit3A_295, %sign3A_307 : i32
    %sign3A_309 = arith.extui %sign3A_308 : i1 to i32
    %sign3A_310 = arith.subi %sign3A_306, %sign3A_309 : i32
    %ne3A_311 = arith.cmpi ne, %sign3A_303, %sign3A_310 : i32
    %rem3A_312 = arith.remsi %add3A_294, %jit3A_295 : i32
    %ne3A_313 = arith.constant 0 : i32
    %ne3A_314 = arith.cmpi ne, %rem3A_312, %ne3A_313 : i32
    %and3A_315 = arith.andi %ne3A_311, %ne3A_314 : i1
    %sub3A_316 = arith.constant 1 : i32
    %sub3A_317 = arith.subi %div3A_296, %sub3A_316 : i32
    %select_n3A_318 = arith.select %and3A_315, %sub3A_317, %div3A_296 : i32
    %mul3A_319 = arith.constant 64 : i32
    %mul3A_320 = arith.muli %select_n3A_318, %mul3A_319 : i32
    %sub3A_321 = arith.subi %add3A_294, %mul3A_320 : i32
    %mul3A_322 = arith.constant 256 : i32
    %mul3A_323 = arith.muli %sub3A_321, %mul3A_322 : i32
    %dma_start3A_324 = arith.constant 3 : i32
    %dma_start3A_325 = arith.constant 0 : i32
    %dma_start3A_326 = arith.constant 0 : i32
    %dma_start3A_327 = tpu.memref_slice %arg6[%dma_start3A_324, %dma_start3A_325, %dma_start3A_326] : memref<4x256x64xf32, #tpu.memory_space<vmem>> -> memref<1x256x64xf32, #tpu.memory_space<vmem>>
    %dma_start3A_328 = tpu.memref_squeeze %dma_start3A_327 : memref<1x256x64xf32, #tpu.memory_space<vmem>> -> memref<256x64xf32, #tpu.memory_space<vmem>>
    %dma_start3A_329 = arith.constant 0 : i32
    %dma_start3A_330 = tpu.memref_slice %arg4[%select_n3A_318, %mul3A_323, %dma_start3A_329] : memref<50x16384x64xf32, #tpu.memory_space<hbm>> -> memref<1x256x64xf32, #tpu.memory_space<hbm>>
    %dma_start3A_331 = tpu.memref_squeeze %dma_start3A_330 : memref<1x256x64xf32, #tpu.memory_space<hbm>> -> memref<256x64xf32, #tpu.memory_space<hbm>>
    %dma_start3A_332 = arith.constant 0 : i32
    %dma_start3A_333 = tpu.memref_slice %arg4[%select_n3A_318, %mul3A_323, %dma_start3A_332] : memref<50x16384x64xf32, #tpu.memory_space<hbm>> -> memref<1x256x64xf32, #tpu.memory_space<hbm>>
    %dma_start3A_334 = tpu.memref_squeeze %dma_start3A_333 : memref<1x256x64xf32, #tpu.memory_space<hbm>> -> memref<256x64xf32, #tpu.memory_space<hbm>>
    %dma_start3A_335 = arith.constant 0 : i32
    %dma_start3A_336 = arith.constant 0 : i32
    %dma_start3A_337 = tpu.memref_slice %arg6[%dma_start3A_324, %dma_start3A_335, %dma_start3A_336] : memref<4x256x64xf32, #tpu.memory_space<vmem>> -> memref<1x256x64xf32, #tpu.memory_space<vmem>>
    %dma_start3A_338 = tpu.memref_squeeze %dma_start3A_337 : memref<1x256x64xf32, #tpu.memory_space<vmem>> -> memref<256x64xf32, #tpu.memory_space<vmem>>
    tpu.enqueue_dma source(%dma_start3A_338 : memref<256x64xf32, #tpu.memory_space<vmem>>) target(%dma_start3A_334 : memref<256x64xf32, #tpu.memory_space<hbm>>) target_semaphore(%arg14 : memref<!tpu.dma_semaphore, #tpu.memory_space<semaphore_mem>>)
    %scan3A = arith.constant 0 : i32
    %scan3A_339 = arith.constant 24 : i32
    %scan3A_340 = arith.addi %scan3A, %scan3A_339 : i32
    %scan3A_341 = arith.constant 1 : i32
    scf.for %scan3A_527 = %scan3A to %scan3A_340 step %scan3A_341  : i32 {
      %mul3A_528 = arith.constant 1 : i32
      %mul3A_529 = arith.muli %scan3A_527, %mul3A_528 : i32
      %add3A_530 = arith.constant 1 : i32
      %add3A_531 = arith.addi %add3A_530, %mul3A_529 : i32
      %mul3A_532 = arith.constant 4 : i32
      %mul3A_533 = arith.muli %add3A_531, %mul3A_532 : i32
      %sub3A_534 = arith.constant 4 : i32
      %sub3A_535 = arith.subi %mul3A_533, %sub3A_534 : i32
      %add3A_536 = arith.constant 0 : i32
      %add3A_537 = arith.addi %sub3A_535, %add3A_536 : i32
      %add3A_538 = arith.addi %mul3A_4, %add3A_537 : i32
      %jit3A_539 = arith.constant 64 : i32
      %div3A_540 = arith.divsi %add3A_538, %jit3A_539 : i32
      %sign3A_541 = arith.constant 0 : i32
      %sign3A_542 = arith.cmpi sgt, %add3A_538, %sign3A_541 : i32
      %sign3A_543 = arith.extui %sign3A_542 : i1 to i32
      %sign3A_544 = arith.constant 0 : i32
      %sign3A_545 = arith.cmpi slt, %add3A_538, %sign3A_544 : i32
      %sign3A_546 = arith.extui %sign3A_545 : i1 to i32
      %sign3A_547 = arith.subi %sign3A_543, %sign3A_546 : i32
      %sign3A_548 = arith.constant 0 : i32
      %sign3A_549 = arith.cmpi sgt, %jit3A_539, %sign3A_548 : i32
      %sign3A_550 = arith.extui %sign3A_549 : i1 to i32
      %sign3A_551 = arith.constant 0 : i32
      %sign3A_552 = arith.cmpi slt, %jit3A_539, %sign3A_551 : i32
      %sign3A_553 = arith.extui %sign3A_552 : i1 to i32
      %sign3A_554 = arith.subi %sign3A_550, %sign3A_553 : i32
      %ne3A_555 = arith.cmpi ne, %sign3A_547, %sign3A_554 : i32
      %rem3A_556 = arith.remsi %add3A_538, %jit3A_539 : i32
      %ne3A_557 = arith.constant 0 : i32
      %ne3A_558 = arith.cmpi ne, %rem3A_556, %ne3A_557 : i32
      %and3A_559 = arith.andi %ne3A_555, %ne3A_558 : i1
      %sub3A_560 = arith.constant 1 : i32
      %sub3A_561 = arith.subi %div3A_540, %sub3A_560 : i32
      %select_n3A_562 = arith.select %and3A_559, %sub3A_561, %div3A_540 : i32
      %mul3A_563 = arith.constant 64 : i32
      %mul3A_564 = arith.muli %select_n3A_562, %mul3A_563 : i32
      %sub3A_565 = arith.subi %add3A_538, %mul3A_564 : i32
      %mul3A_566 = arith.constant 256 : i32
      %mul3A_567 = arith.muli %sub3A_565, %mul3A_566 : i32
      %dma_wait3A_568 = arith.constant 0 : i32
      %dma_wait3A_569 = arith.constant 0 : i32
      %dma_wait3A_570 = arith.constant 0 : i32
      %dma_wait3A_571 = tpu.memref_slice %arg6[%dma_wait3A_568, %dma_wait3A_569, %dma_wait3A_570] : memref<4x256x64xf32, #tpu.memory_space<vmem>> -> memref<1x256x64xf32, #tpu.memory_space<vmem>>
      %dma_wait3A_572 = tpu.memref_squeeze %dma_wait3A_571 : memref<1x256x64xf32, #tpu.memory_space<vmem>> -> memref<256x64xf32, #tpu.memory_space<vmem>>
      %dma_wait3A_573 = arith.constant 0 : i32
      %dma_wait3A_574 = tpu.memref_slice %arg4[%select_n3A_562, %mul3A_567, %dma_wait3A_573] : memref<50x16384x64xf32, #tpu.memory_space<hbm>> -> memref<1x256x64xf32, #tpu.memory_space<hbm>>
      %dma_wait3A_575 = tpu.memref_squeeze %dma_wait3A_574 : memref<1x256x64xf32, #tpu.memory_space<hbm>> -> memref<256x64xf32, #tpu.memory_space<hbm>>
      %dma_wait3A_576 = arith.constant 0 : i32
      %dma_wait3A_577 = tpu.memref_slice %arg4[%select_n3A_562, %mul3A_567, %dma_wait3A_576] : memref<50x16384x64xf32, #tpu.memory_space<hbm>> -> memref<1x256x64xf32, #tpu.memory_space<hbm>>
      %dma_wait3A_578 = tpu.memref_squeeze %dma_wait3A_577 : memref<1x256x64xf32, #tpu.memory_space<hbm>> -> memref<256x64xf32, #tpu.memory_space<hbm>>
      %dma_wait3A_579 = arith.constant 0 : i32
      %dma_wait3A_580 = arith.constant 0 : i32
      %dma_wait3A_581 = tpu.memref_slice %arg6[%dma_wait3A_568, %dma_wait3A_579, %dma_wait3A_580] : memref<4x256x64xf32, #tpu.memory_space<vmem>> -> memref<1x256x64xf32, #tpu.memory_space<vmem>>
      %dma_wait3A_582 = tpu.memref_squeeze %dma_wait3A_581 : memref<1x256x64xf32, #tpu.memory_space<vmem>> -> memref<256x64xf32, #tpu.memory_space<vmem>>
      tpu.wait_dma2 semaphore(%arg11 : memref<!tpu.dma_semaphore, #tpu.memory_space<semaphore_mem>>) src(%dma_wait3A_582 : memref<256x64xf32, #tpu.memory_space<vmem>>) dst(%dma_wait3A_578 : memref<256x64xf32, #tpu.memory_space<hbm>>)
      %add3A_583 = arith.constant 0 : i32
      %add3A_584 = arith.addi %mul3A_533, %add3A_583 : i32
      %mul3A_585 = arith.constant 256 : i32
      %mul3A_586 = arith.muli %add3A_584, %mul3A_585 : i32
      %add3A_587 = arith.constant 0 : i32
      %add3A_588 = arith.addi %mul3A_586, %add3A_587 : i32
      %dma_start3A_589 = arith.constant 0 : i32
      %dma_start3A_590 = arith.constant 0 : i32
      %dma_start3A_591 = arith.constant 0 : i32
      %dma_start3A_592 = tpu.memref_slice %arg6[%dma_start3A_589, %dma_start3A_590, %dma_start3A_591] : memref<4x256x64xf32, #tpu.memory_space<vmem>> -> memref<1x128x64xf32, #tpu.memory_space<vmem>>
      %dma_start3A_593 = tpu.memref_squeeze %dma_start3A_592 : memref<1x128x64xf32, #tpu.memory_space<vmem>> -> memref<128x64xf32, #tpu.memory_space<vmem>>
      %dma_start3A_594 = tpu.memref_slice %arg5[%add3A_588] : memref<25600xi32, #tpu.memory_space<vmem>> -> memref<128xi32, #tpu.memory_space<vmem>>
      %dma_start3A_595 = arith.constant 0 : i32
      %dma_start3A_596 = arith.constant 0 : i32
      %dma_start3A_597 = tpu.memref_slice %arg2[%dma_start3A_595, %dma_start3A_596] : memref<1000000x64xf32, #tpu.memory_space<hbm>> -> memref<1000000x64xf32, #tpu.memory_space<hbm>>
      tpu.enqueue_indirect_dma source(%dma_start3A_597 : memref<1000000x64xf32, #tpu.memory_space<hbm>>) target(%dma_start3A_593 : memref<128x64xf32, #tpu.memory_space<vmem>>) offsets(%dma_start3A_594 : memref<128xi32, #tpu.memory_space<vmem>>) semaphore(%arg7 : memref<!tpu.dma_semaphore, #tpu.memory_space<semaphore_mem>>)
      %mul3A_598 = arith.constant 256 : i32
      %mul3A_599 = arith.muli %add3A_584, %mul3A_598 : i32
      %add3A_600 = arith.constant 128 : i32
      %add3A_601 = arith.addi %mul3A_599, %add3A_600 : i32
      %dma_start3A_602 = arith.constant 0 : i32
      %dma_start3A_603 = arith.constant 128 : i32
      %dma_start3A_604 = arith.constant 0 : i32
      %dma_start3A_605 = tpu.memref_slice %arg6[%dma_start3A_602, %dma_start3A_603, %dma_start3A_604] : memref<4x256x64xf32, #tpu.memory_space<vmem>> -> memref<1x128x64xf32, #tpu.memory_space<vmem>>
      %dma_start3A_606 = tpu.memref_squeeze %dma_start3A_605 : memref<1x128x64xf32, #tpu.memory_space<vmem>> -> memref<128x64xf32, #tpu.memory_space<vmem>>
      %dma_start3A_607 = tpu.memref_slice %arg5[%add3A_601] : memref<25600xi32, #tpu.memory_space<vmem>> -> memref<128xi32, #tpu.memory_space<vmem>>
      %dma_start3A_608 = arith.constant 0 : i32
      %dma_start3A_609 = arith.constant 0 : i32
      %dma_start3A_610 = tpu.memref_slice %arg2[%dma_start3A_608, %dma_start3A_609] : memref<1000000x64xf32, #tpu.memory_space<hbm>> -> memref<1000000x64xf32, #tpu.memory_space<hbm>>
      tpu.enqueue_indirect_dma source(%dma_start3A_610 : memref<1000000x64xf32, #tpu.memory_space<hbm>>) target(%dma_start3A_606 : memref<128x64xf32, #tpu.memory_space<vmem>>) offsets(%dma_start3A_607 : memref<128xi32, #tpu.memory_space<vmem>>) semaphore(%arg7 : memref<!tpu.dma_semaphore, #tpu.memory_space<semaphore_mem>>)
      %sub3A_611 = arith.constant 4 : i32
      %sub3A_612 = arith.subi %mul3A_533, %sub3A_611 : i32
      %add3A_613 = arith.constant 1 : i32
      %add3A_614 = arith.addi %sub3A_612, %add3A_613 : i32
      %add3A_615 = arith.addi %mul3A_4, %add3A_614 : i32
      %jit3A_616 = arith.constant 64 : i32
      %div3A_617 = arith.divsi %add3A_615, %jit3A_616 : i32
      %sign3A_618 = arith.constant 0 : i32
      %sign3A_619 = arith.cmpi sgt, %add3A_615, %sign3A_618 : i32
      %sign3A_620 = arith.extui %sign3A_619 : i1 to i32
      %sign3A_621 = arith.constant 0 : i32
      %sign3A_622 = arith.cmpi slt, %add3A_615, %sign3A_621 : i32
      %sign3A_623 = arith.extui %sign3A_622 : i1 to i32
      %sign3A_624 = arith.subi %sign3A_620, %sign3A_623 : i32
      %sign3A_625 = arith.constant 0 : i32
      %sign3A_626 = arith.cmpi sgt, %jit3A_616, %sign3A_625 : i32
      %sign3A_627 = arith.extui %sign3A_626 : i1 to i32
      %sign3A_628 = arith.constant 0 : i32
      %sign3A_629 = arith.cmpi slt, %jit3A_616, %sign3A_628 : i32
      %sign3A_630 = arith.extui %sign3A_629 : i1 to i32
      %sign3A_631 = arith.subi %sign3A_627, %sign3A_630 : i32
      %ne3A_632 = arith.cmpi ne, %sign3A_624, %sign3A_631 : i32
      %rem3A_633 = arith.remsi %add3A_615, %jit3A_616 : i32
      %ne3A_634 = arith.constant 0 : i32
      %ne3A_635 = arith.cmpi ne, %rem3A_633, %ne3A_634 : i32
      %and3A_636 = arith.andi %ne3A_632, %ne3A_635 : i1
      %sub3A_637 = arith.constant 1 : i32
      %sub3A_638 = arith.subi %div3A_617, %sub3A_637 : i32
      %select_n3A_639 = arith.select %and3A_636, %sub3A_638, %div3A_617 : i32
      %mul3A_640 = arith.constant 64 : i32
      %mul3A_641 = arith.muli %select_n3A_639, %mul3A_640 : i32
      %sub3A_642 = arith.subi %add3A_615, %mul3A_641 : i32
      %mul3A_643 = arith.constant 256 : i32
      %mul3A_644 = arith.muli %sub3A_642, %mul3A_643 : i32
      %dma_wait3A_645 = arith.constant 1 : i32
      %dma_wait3A_646 = arith.constant 0 : i32
      %dma_wait3A_647 = arith.constant 0 : i32
      %dma_wait3A_648 = tpu.memref_slice %arg6[%dma_wait3A_645, %dma_wait3A_646, %dma_wait3A_647] : memref<4x256x64xf32, #tpu.memory_space<vmem>> -> memref<1x256x64xf32, #tpu.memory_space<vmem>>
      %dma_wait3A_649 = tpu.memref_squeeze %dma_wait3A_648 : memref<1x256x64xf32, #tpu.memory_space<vmem>> -> memref<256x64xf32, #tpu.memory_space<vmem>>
      %dma_wait3A_650 = arith.constant 0 : i32
      %dma_wait3A_651 = tpu.memref_slice %arg4[%select_n3A_639, %mul3A_644, %dma_wait3A_650] : memref<50x16384x64xf32, #tpu.memory_space<hbm>> -> memref<1x256x64xf32, #tpu.memory_space<hbm>>
      %dma_wait3A_652 = tpu.memref_squeeze %dma_wait3A_651 : memref<1x256x64xf32, #tpu.memory_space<hbm>> -> memref<256x64xf32, #tpu.memory_space<hbm>>
      %dma_wait3A_653 = arith.constant 0 : i32
      %dma_wait3A_654 = tpu.memref_slice %arg4[%select_n3A_639, %mul3A_644, %dma_wait3A_653] : memref<50x16384x64xf32, #tpu.memory_space<hbm>> -> memref<1x256x64xf32, #tpu.memory_space<hbm>>
      %dma_wait3A_655 = tpu.memref_squeeze %dma_wait3A_654 : memref<1x256x64xf32, #tpu.memory_space<hbm>> -> memref<256x64xf32, #tpu.memory_space<hbm>>
      %dma_wait3A_656 = arith.constant 0 : i32
      %dma_wait3A_657 = arith.constant 0 : i32
      %dma_wait3A_658 = tpu.memref_slice %arg6[%dma_wait3A_645, %dma_wait3A_656, %dma_wait3A_657] : memref<4x256x64xf32, #tpu.memory_space<vmem>> -> memref<1x256x64xf32, #tpu.memory_space<vmem>>
      %dma_wait3A_659 = tpu.memref_squeeze %dma_wait3A_658 : memref<1x256x64xf32, #tpu.memory_space<vmem>> -> memref<256x64xf32, #tpu.memory_space<vmem>>
      tpu.wait_dma2 semaphore(%arg12 : memref<!tpu.dma_semaphore, #tpu.memory_space<semaphore_mem>>) src(%dma_wait3A_659 : memref<256x64xf32, #tpu.memory_space<vmem>>) dst(%dma_wait3A_655 : memref<256x64xf32, #tpu.memory_space<hbm>>)
      %add3A_660 = arith.constant 1 : i32
      %add3A_661 = arith.addi %mul3A_533, %add3A_660 : i32
      %mul3A_662 = arith.constant 256 : i32
      %mul3A_663 = arith.muli %add3A_661, %mul3A_662 : i32
      %add3A_664 = arith.constant 0 : i32
      %add3A_665 = arith.addi %mul3A_663, %add3A_664 : i32
      %dma_start3A_666 = arith.constant 1 : i32
      %dma_start3A_667 = arith.constant 0 : i32
      %dma_start3A_668 = arith.constant 0 : i32
      %dma_start3A_669 = tpu.memref_slice %arg6[%dma_start3A_666, %dma_start3A_667, %dma_start3A_668] : memref<4x256x64xf32, #tpu.memory_space<vmem>> -> memref<1x128x64xf32, #tpu.memory_space<vmem>>
      %dma_start3A_670 = tpu.memref_squeeze %dma_start3A_669 : memref<1x128x64xf32, #tpu.memory_space<vmem>> -> memref<128x64xf32, #tpu.memory_space<vmem>>
      %dma_start3A_671 = tpu.memref_slice %arg5[%add3A_665] : memref<25600xi32, #tpu.memory_space<vmem>> -> memref<128xi32, #tpu.memory_space<vmem>>
      %dma_start3A_672 = arith.constant 0 : i32
      %dma_start3A_673 = arith.constant 0 : i32
      %dma_start3A_674 = tpu.memref_slice %arg2[%dma_start3A_672, %dma_start3A_673] : memref<1000000x64xf32, #tpu.memory_space<hbm>> -> memref<1000000x64xf32, #tpu.memory_space<hbm>>
      tpu.enqueue_indirect_dma source(%dma_start3A_674 : memref<1000000x64xf32, #tpu.memory_space<hbm>>) target(%dma_start3A_670 : memref<128x64xf32, #tpu.memory_space<vmem>>) offsets(%dma_start3A_671 : memref<128xi32, #tpu.memory_space<vmem>>) semaphore(%arg8 : memref<!tpu.dma_semaphore, #tpu.memory_space<semaphore_mem>>)
      %mul3A_675 = arith.constant 256 : i32
      %mul3A_676 = arith.muli %add3A_661, %mul3A_675 : i32
      %add3A_677 = arith.constant 128 : i32
      %add3A_678 = arith.addi %mul3A_676, %add3A_677 : i32
      %dma_start3A_679 = arith.constant 1 : i32
      %dma_start3A_680 = arith.constant 128 : i32
      %dma_start3A_681 = arith.constant 0 : i32
      %dma_start3A_682 = tpu.memref_slice %arg6[%dma_start3A_679, %dma_start3A_680, %dma_start3A_681] : memref<4x256x64xf32, #tpu.memory_space<vmem>> -> memref<1x128x64xf32, #tpu.memory_space<vmem>>
      %dma_start3A_683 = tpu.memref_squeeze %dma_start3A_682 : memref<1x128x64xf32, #tpu.memory_space<vmem>> -> memref<128x64xf32, #tpu.memory_space<vmem>>
      %dma_start3A_684 = tpu.memref_slice %arg5[%add3A_678] : memref<25600xi32, #tpu.memory_space<vmem>> -> memref<128xi32, #tpu.memory_space<vmem>>
      %dma_start3A_685 = arith.constant 0 : i32
      %dma_start3A_686 = arith.constant 0 : i32
      %dma_start3A_687 = tpu.memref_slice %arg2[%dma_start3A_685, %dma_start3A_686] : memref<1000000x64xf32, #tpu.memory_space<hbm>> -> memref<1000000x64xf32, #tpu.memory_space<hbm>>
      tpu.enqueue_indirect_dma source(%dma_start3A_687 : memref<1000000x64xf32, #tpu.memory_space<hbm>>) target(%dma_start3A_683 : memref<128x64xf32, #tpu.memory_space<vmem>>) offsets(%dma_start3A_684 : memref<128xi32, #tpu.memory_space<vmem>>) semaphore(%arg8 : memref<!tpu.dma_semaphore, #tpu.memory_space<semaphore_mem>>)
      %sub3A_688 = arith.constant 4 : i32
      %sub3A_689 = arith.subi %mul3A_533, %sub3A_688 : i32
      %add3A_690 = arith.constant 2 : i32
      %add3A_691 = arith.addi %sub3A_689, %add3A_690 : i32
      %add3A_692 = arith.addi %mul3A_4, %add3A_691 : i32
      %jit3A_693 = arith.constant 64 : i32
      %div3A_694 = arith.divsi %add3A_692, %jit3A_693 : i32
      %sign3A_695 = arith.constant 0 : i32
      %sign3A_696 = arith.cmpi sgt, %add3A_692, %sign3A_695 : i32
      %sign3A_697 = arith.extui %sign3A_696 : i1 to i32
      %sign3A_698 = arith.constant 0 : i32
      %sign3A_699 = arith.cmpi slt, %add3A_692, %sign3A_698 : i32
      %sign3A_700 = arith.extui %sign3A_699 : i1 to i32
      %sign3A_701 = arith.subi %sign3A_697, %sign3A_700 : i32
      %sign3A_702 = arith.constant 0 : i32
      %sign3A_703 = arith.cmpi sgt, %jit3A_693, %sign3A_702 : i32
      %sign3A_704 = arith.extui %sign3A_703 : i1 to i32
      %sign3A_705 = arith.constant 0 : i32
      %sign3A_706 = arith.cmpi slt, %jit3A_693, %sign3A_705 : i32
      %sign3A_707 = arith.extui %sign3A_706 : i1 to i32
      %sign3A_708 = arith.subi %sign3A_704, %sign3A_707 : i32
      %ne3A_709 = arith.cmpi ne, %sign3A_701, %sign3A_708 : i32
      %rem3A_710 = arith.remsi %add3A_692, %jit3A_693 : i32
      %ne3A_711 = arith.constant 0 : i32
      %ne3A_712 = arith.cmpi ne, %rem3A_710, %ne3A_711 : i32
      %and3A_713 = arith.andi %ne3A_709, %ne3A_712 : i1
      %sub3A_714 = arith.constant 1 : i32
      %sub3A_715 = arith.subi %div3A_694, %sub3A_714 : i32
      %select_n3A_716 = arith.select %and3A_713, %sub3A_715, %div3A_694 : i32
      %mul3A_717 = arith.constant 64 : i32
      %mul3A_718 = arith.muli %select_n3A_716, %mul3A_717 : i32
      %sub3A_719 = arith.subi %add3A_692, %mul3A_718 : i32
      %mul3A_720 = arith.constant 256 : i32
      %mul3A_721 = arith.muli %sub3A_719, %mul3A_720 : i32
      %dma_wait3A_722 = arith.constant 2 : i32
      %dma_wait3A_723 = arith.constant 0 : i32
      %dma_wait3A_724 = arith.constant 0 : i32
      %dma_wait3A_725 = tpu.memref_slice %arg6[%dma_wait3A_722, %dma_wait3A_723, %dma_wait3A_724] : memref<4x256x64xf32, #tpu.memory_space<vmem>> -> memref<1x256x64xf32, #tpu.memory_space<vmem>>
      %dma_wait3A_726 = tpu.memref_squeeze %dma_wait3A_725 : memref<1x256x64xf32, #tpu.memory_space<vmem>> -> memref<256x64xf32, #tpu.memory_space<vmem>>
      %dma_wait3A_727 = arith.constant 0 : i32
      %dma_wait3A_728 = tpu.memref_slice %arg4[%select_n3A_716, %mul3A_721, %dma_wait3A_727] : memref<50x16384x64xf32, #tpu.memory_space<hbm>> -> memref<1x256x64xf32, #tpu.memory_space<hbm>>
      %dma_wait3A_729 = tpu.memref_squeeze %dma_wait3A_728 : memref<1x256x64xf32, #tpu.memory_space<hbm>> -> memref<256x64xf32, #tpu.memory_space<hbm>>
      %dma_wait3A_730 = arith.constant 0 : i32
      %dma_wait3A_731 = tpu.memref_slice %arg4[%select_n3A_716, %mul3A_721, %dma_wait3A_730] : memref<50x16384x64xf32, #tpu.memory_space<hbm>> -> memref<1x256x64xf32, #tpu.memory_space<hbm>>
      %dma_wait3A_732 = tpu.memref_squeeze %dma_wait3A_731 : memref<1x256x64xf32, #tpu.memory_space<hbm>> -> memref<256x64xf32, #tpu.memory_space<hbm>>
      %dma_wait3A_733 = arith.constant 0 : i32
      %dma_wait3A_734 = arith.constant 0 : i32
      %dma_wait3A_735 = tpu.memref_slice %arg6[%dma_wait3A_722, %dma_wait3A_733, %dma_wait3A_734] : memref<4x256x64xf32, #tpu.memory_space<vmem>> -> memref<1x256x64xf32, #tpu.memory_space<vmem>>
      %dma_wait3A_736 = tpu.memref_squeeze %dma_wait3A_735 : memref<1x256x64xf32, #tpu.memory_space<vmem>> -> memref<256x64xf32, #tpu.memory_space<vmem>>
      tpu.wait_dma2 semaphore(%arg13 : memref<!tpu.dma_semaphore, #tpu.memory_space<semaphore_mem>>) src(%dma_wait3A_736 : memref<256x64xf32, #tpu.memory_space<vmem>>) dst(%dma_wait3A_732 : memref<256x64xf32, #tpu.memory_space<hbm>>)
      %add3A_737 = arith.constant 2 : i32
      %add3A_738 = arith.addi %mul3A_533, %add3A_737 : i32
      %mul3A_739 = arith.constant 256 : i32
      %mul3A_740 = arith.muli %add3A_738, %mul3A_739 : i32
      %add3A_741 = arith.constant 0 : i32
      %add3A_742 = arith.addi %mul3A_740, %add3A_741 : i32
      %dma_start3A_743 = arith.constant 2 : i32
      %dma_start3A_744 = arith.constant 0 : i32
      %dma_start3A_745 = arith.constant 0 : i32
      %dma_start3A_746 = tpu.memref_slice %arg6[%dma_start3A_743, %dma_start3A_744, %dma_start3A_745] : memref<4x256x64xf32, #tpu.memory_space<vmem>> -> memref<1x128x64xf32, #tpu.memory_space<vmem>>
      %dma_start3A_747 = tpu.memref_squeeze %dma_start3A_746 : memref<1x128x64xf32, #tpu.memory_space<vmem>> -> memref<128x64xf32, #tpu.memory_space<vmem>>
      %dma_start3A_748 = tpu.memref_slice %arg5[%add3A_742] : memref<25600xi32, #tpu.memory_space<vmem>> -> memref<128xi32, #tpu.memory_space<vmem>>
      %dma_start3A_749 = arith.constant 0 : i32
      %dma_start3A_750 = arith.constant 0 : i32
      %dma_start3A_751 = tpu.memref_slice %arg2[%dma_start3A_749, %dma_start3A_750] : memref<1000000x64xf32, #tpu.memory_space<hbm>> -> memref<1000000x64xf32, #tpu.memory_space<hbm>>
      tpu.enqueue_indirect_dma source(%dma_start3A_751 : memref<1000000x64xf32, #tpu.memory_space<hbm>>) target(%dma_start3A_747 : memref<128x64xf32, #tpu.memory_space<vmem>>) offsets(%dma_start3A_748 : memref<128xi32, #tpu.memory_space<vmem>>) semaphore(%arg9 : memref<!tpu.dma_semaphore, #tpu.memory_space<semaphore_mem>>)
      %mul3A_752 = arith.constant 256 : i32
      %mul3A_753 = arith.muli %add3A_738, %mul3A_752 : i32
      %add3A_754 = arith.constant 128 : i32
      %add3A_755 = arith.addi %mul3A_753, %add3A_754 : i32
      %dma_start3A_756 = arith.constant 2 : i32
      %dma_start3A_757 = arith.constant 128 : i32
      %dma_start3A_758 = arith.constant 0 : i32
      %dma_start3A_759 = tpu.memref_slice %arg6[%dma_start3A_756, %dma_start3A_757, %dma_start3A_758] : memref<4x256x64xf32, #tpu.memory_space<vmem>> -> memref<1x128x64xf32, #tpu.memory_space<vmem>>
      %dma_start3A_760 = tpu.memref_squeeze %dma_start3A_759 : memref<1x128x64xf32, #tpu.memory_space<vmem>> -> memref<128x64xf32, #tpu.memory_space<vmem>>
      %dma_start3A_761 = tpu.memref_slice %arg5[%add3A_755] : memref<25600xi32, #tpu.memory_space<vmem>> -> memref<128xi32, #tpu.memory_space<vmem>>
      %dma_start3A_762 = arith.constant 0 : i32
      %dma_start3A_763 = arith.constant 0 : i32
      %dma_start3A_764 = tpu.memref_slice %arg2[%dma_start3A_762, %dma_start3A_763] : memref<1000000x64xf32, #tpu.memory_space<hbm>> -> memref<1000000x64xf32, #tpu.memory_space<hbm>>
      tpu.enqueue_indirect_dma source(%dma_start3A_764 : memref<1000000x64xf32, #tpu.memory_space<hbm>>) target(%dma_start3A_760 : memref<128x64xf32, #tpu.memory_space<vmem>>) offsets(%dma_start3A_761 : memref<128xi32, #tpu.memory_space<vmem>>) semaphore(%arg9 : memref<!tpu.dma_semaphore, #tpu.memory_space<semaphore_mem>>)
      %sub3A_765 = arith.constant 4 : i32
      %sub3A_766 = arith.subi %mul3A_533, %sub3A_765 : i32
      %add3A_767 = arith.constant 3 : i32
      %add3A_768 = arith.addi %sub3A_766, %add3A_767 : i32
      %add3A_769 = arith.addi %mul3A_4, %add3A_768 : i32
      %jit3A_770 = arith.constant 64 : i32
      %div3A_771 = arith.divsi %add3A_769, %jit3A_770 : i32
      %sign3A_772 = arith.constant 0 : i32
      %sign3A_773 = arith.cmpi sgt, %add3A_769, %sign3A_772 : i32
      %sign3A_774 = arith.extui %sign3A_773 : i1 to i32
      %sign3A_775 = arith.constant 0 : i32
      %sign3A_776 = arith.cmpi slt, %add3A_769, %sign3A_775 : i32
      %sign3A_777 = arith.extui %sign3A_776 : i1 to i32
      %sign3A_778 = arith.subi %sign3A_774, %sign3A_777 : i32
      %sign3A_779 = arith.constant 0 : i32
      %sign3A_780 = arith.cmpi sgt, %jit3A_770, %sign3A_779 : i32
      %sign3A_781 = arith.extui %sign3A_780 : i1 to i32
      %sign3A_782 = arith.constant 0 : i32
      %sign3A_783 = arith.cmpi slt, %jit3A_770, %sign3A_782 : i32
      %sign3A_784 = arith.extui %sign3A_783 : i1 to i32
      %sign3A_785 = arith.subi %sign3A_781, %sign3A_784 : i32
      %ne3A_786 = arith.cmpi ne, %sign3A_778, %sign3A_785 : i32
      %rem3A_787 = arith.remsi %add3A_769, %jit3A_770 : i32
      %ne3A_788 = arith.constant 0 : i32
      %ne3A_789 = arith.cmpi ne, %rem3A_787, %ne3A_788 : i32
      %and3A_790 = arith.andi %ne3A_786, %ne3A_789 : i1
      %sub3A_791 = arith.constant 1 : i32
      %sub3A_792 = arith.subi %div3A_771, %sub3A_791 : i32
      %select_n3A_793 = arith.select %and3A_790, %sub3A_792, %div3A_771 : i32
      %mul3A_794 = arith.constant 64 : i32
      %mul3A_795 = arith.muli %select_n3A_793, %mul3A_794 : i32
      %sub3A_796 = arith.subi %add3A_769, %mul3A_795 : i32
      %mul3A_797 = arith.constant 256 : i32
      %mul3A_798 = arith.muli %sub3A_796, %mul3A_797 : i32
      %dma_wait3A_799 = arith.constant 3 : i32
      %dma_wait3A_800 = arith.constant 0 : i32
      %dma_wait3A_801 = arith.constant 0 : i32
      %dma_wait3A_802 = tpu.memref_slice %arg6[%dma_wait3A_799, %dma_wait3A_800, %dma_wait3A_801] : memref<4x256x64xf32, #tpu.memory_space<vmem>> -> memref<1x256x64xf32, #tpu.memory_space<vmem>>
      %dma_wait3A_803 = tpu.memref_squeeze %dma_wait3A_802 : memref<1x256x64xf32, #tpu.memory_space<vmem>> -> memref<256x64xf32, #tpu.memory_space<vmem>>
      %dma_wait3A_804 = arith.constant 0 : i32
      %dma_wait3A_805 = tpu.memref_slice %arg4[%select_n3A_793, %mul3A_798, %dma_wait3A_804] : memref<50x16384x64xf32, #tpu.memory_space<hbm>> -> memref<1x256x64xf32, #tpu.memory_space<hbm>>
      %dma_wait3A_806 = tpu.memref_squeeze %dma_wait3A_805 : memref<1x256x64xf32, #tpu.memory_space<hbm>> -> memref<256x64xf32, #tpu.memory_space<hbm>>
      %dma_wait3A_807 = arith.constant 0 : i32
      %dma_wait3A_808 = tpu.memref_slice %arg4[%select_n3A_793, %mul3A_798, %dma_wait3A_807] : memref<50x16384x64xf32, #tpu.memory_space<hbm>> -> memref<1x256x64xf32, #tpu.memory_space<hbm>>
      %dma_wait3A_809 = tpu.memref_squeeze %dma_wait3A_808 : memref<1x256x64xf32, #tpu.memory_space<hbm>> -> memref<256x64xf32, #tpu.memory_space<hbm>>
      %dma_wait3A_810 = arith.constant 0 : i32
      %dma_wait3A_811 = arith.constant 0 : i32
      %dma_wait3A_812 = tpu.memref_slice %arg6[%dma_wait3A_799, %dma_wait3A_810, %dma_wait3A_811] : memref<4x256x64xf32, #tpu.memory_space<vmem>> -> memref<1x256x64xf32, #tpu.memory_space<vmem>>
      %dma_wait3A_813 = tpu.memref_squeeze %dma_wait3A_812 : memref<1x256x64xf32, #tpu.memory_space<vmem>> -> memref<256x64xf32, #tpu.memory_space<vmem>>
      tpu.wait_dma2 semaphore(%arg14 : memref<!tpu.dma_semaphore, #tpu.memory_space<semaphore_mem>>) src(%dma_wait3A_813 : memref<256x64xf32, #tpu.memory_space<vmem>>) dst(%dma_wait3A_809 : memref<256x64xf32, #tpu.memory_space<hbm>>)
      %add3A_814 = arith.constant 3 : i32
      %add3A_815 = arith.addi %mul3A_533, %add3A_814 : i32
      %mul3A_816 = arith.constant 256 : i32
      %mul3A_817 = arith.muli %add3A_815, %mul3A_816 : i32
      %add3A_818 = arith.constant 0 : i32
      %add3A_819 = arith.addi %mul3A_817, %add3A_818 : i32
      %dma_start3A_820 = arith.constant 3 : i32
      %dma_start3A_821 = arith.constant 0 : i32
      %dma_start3A_822 = arith.constant 0 : i32
      %dma_start3A_823 = tpu.memref_slice %arg6[%dma_start3A_820, %dma_start3A_821, %dma_start3A_822] : memref<4x256x64xf32, #tpu.memory_space<vmem>> -> memref<1x128x64xf32, #tpu.memory_space<vmem>>
      %dma_start3A_824 = tpu.memref_squeeze %dma_start3A_823 : memref<1x128x64xf32, #tpu.memory_space<vmem>> -> memref<128x64xf32, #tpu.memory_space<vmem>>
      %dma_start3A_825 = tpu.memref_slice %arg5[%add3A_819] : memref<25600xi32, #tpu.memory_space<vmem>> -> memref<128xi32, #tpu.memory_space<vmem>>
      %dma_start3A_826 = arith.constant 0 : i32
      %dma_start3A_827 = arith.constant 0 : i32
      %dma_start3A_828 = tpu.memref_slice %arg2[%dma_start3A_826, %dma_start3A_827] : memref<1000000x64xf32, #tpu.memory_space<hbm>> -> memref<1000000x64xf32, #tpu.memory_space<hbm>>
      tpu.enqueue_indirect_dma source(%dma_start3A_828 : memref<1000000x64xf32, #tpu.memory_space<hbm>>) target(%dma_start3A_824 : memref<128x64xf32, #tpu.memory_space<vmem>>) offsets(%dma_start3A_825 : memref<128xi32, #tpu.memory_space<vmem>>) semaphore(%arg10 : memref<!tpu.dma_semaphore, #tpu.memory_space<semaphore_mem>>)
      %mul3A_829 = arith.constant 256 : i32
      %mul3A_830 = arith.muli %add3A_815, %mul3A_829 : i32
      %add3A_831 = arith.constant 128 : i32
      %add3A_832 = arith.addi %mul3A_830, %add3A_831 : i32
      %dma_start3A_833 = arith.constant 3 : i32
      %dma_start3A_834 = arith.constant 128 : i32
      %dma_start3A_835 = arith.constant 0 : i32
      %dma_start3A_836 = tpu.memref_slice %arg6[%dma_start3A_833, %dma_start3A_834, %dma_start3A_835] : memref<4x256x64xf32, #tpu.memory_space<vmem>> -> memref<1x128x64xf32, #tpu.memory_space<vmem>>
      %dma_start3A_837 = tpu.memref_squeeze %dma_start3A_836 : memref<1x128x64xf32, #tpu.memory_space<vmem>> -> memref<128x64xf32, #tpu.memory_space<vmem>>
      %dma_start3A_838 = tpu.memref_slice %arg5[%add3A_832] : memref<25600xi32, #tpu.memory_space<vmem>> -> memref<128xi32, #tpu.memory_space<vmem>>
      %dma_start3A_839 = arith.constant 0 : i32
      %dma_start3A_840 = arith.constant 0 : i32
      %dma_start3A_841 = tpu.memref_slice %arg2[%dma_start3A_839, %dma_start3A_840] : memref<1000000x64xf32, #tpu.memory_space<hbm>> -> memref<1000000x64xf32, #tpu.memory_space<hbm>>
      tpu.enqueue_indirect_dma source(%dma_start3A_841 : memref<1000000x64xf32, #tpu.memory_space<hbm>>) target(%dma_start3A_837 : memref<128x64xf32, #tpu.memory_space<vmem>>) offsets(%dma_start3A_838 : memref<128xi32, #tpu.memory_space<vmem>>) semaphore(%arg10 : memref<!tpu.dma_semaphore, #tpu.memory_space<semaphore_mem>>)
      %add3A_842 = arith.constant 0 : i32
      %add3A_843 = arith.addi %mul3A_533, %add3A_842 : i32
      %mul3A_844 = arith.constant 256 : i32
      %mul3A_845 = arith.muli %add3A_843, %mul3A_844 : i32
      %add3A_846 = arith.constant 0 : i32
      %add3A_847 = arith.addi %mul3A_845, %add3A_846 : i32
      %dma_wait3A_848 = arith.constant 0 : i32
      %dma_wait3A_849 = arith.constant 0 : i32
      %dma_wait3A_850 = arith.constant 0 : i32
      %dma_wait3A_851 = tpu.memref_slice %arg6[%dma_wait3A_848, %dma_wait3A_849, %dma_wait3A_850] : memref<4x256x64xf32, #tpu.memory_space<vmem>> -> memref<1x128x64xf32, #tpu.memory_space<vmem>>
      %dma_wait3A_852 = tpu.memref_squeeze %dma_wait3A_851 : memref<1x128x64xf32, #tpu.memory_space<vmem>> -> memref<128x64xf32, #tpu.memory_space<vmem>>
      %dma_wait3A_853 = tpu.memref_slice %arg5[%add3A_847] : memref<25600xi32, #tpu.memory_space<vmem>> -> memref<128xi32, #tpu.memory_space<vmem>>
      %dma_wait3A_854 = arith.constant 0 : i32
      %dma_wait3A_855 = arith.constant 0 : i32
      %dma_wait3A_856 = tpu.memref_slice %arg2[%dma_wait3A_854, %dma_wait3A_855] : memref<1000000x64xf32, #tpu.memory_space<hbm>> -> memref<1000000x64xf32, #tpu.memory_space<hbm>>
      tpu.wait_indirect_dma semaphore(%arg7 : memref<!tpu.dma_semaphore, #tpu.memory_space<semaphore_mem>>) src(%dma_wait3A_856 : memref<1000000x64xf32, #tpu.memory_space<hbm>>) dst(%dma_wait3A_852 : memref<128x64xf32, #tpu.memory_space<vmem>>)
      %mul3A_857 = arith.constant 256 : i32
      %mul3A_858 = arith.muli %add3A_843, %mul3A_857 : i32
      %add3A_859 = arith.constant 128 : i32
      %add3A_860 = arith.addi %mul3A_858, %add3A_859 : i32
      %dma_wait3A_861 = arith.constant 0 : i32
      %dma_wait3A_862 = arith.constant 128 : i32
      %dma_wait3A_863 = arith.constant 0 : i32
      %dma_wait3A_864 = tpu.memref_slice %arg6[%dma_wait3A_861, %dma_wait3A_862, %dma_wait3A_863] : memref<4x256x64xf32, #tpu.memory_space<vmem>> -> memref<1x128x64xf32, #tpu.memory_space<vmem>>
      %dma_wait3A_865 = tpu.memref_squeeze %dma_wait3A_864 : memref<1x128x64xf32, #tpu.memory_space<vmem>> -> memref<128x64xf32, #tpu.memory_space<vmem>>
      %dma_wait3A_866 = tpu.memref_slice %arg5[%add3A_860] : memref<25600xi32, #tpu.memory_space<vmem>> -> memref<128xi32, #tpu.memory_space<vmem>>
      %dma_wait3A_867 = arith.constant 0 : i32
      %dma_wait3A_868 = arith.constant 0 : i32
      %dma_wait3A_869 = tpu.memref_slice %arg2[%dma_wait3A_867, %dma_wait3A_868] : memref<1000000x64xf32, #tpu.memory_space<hbm>> -> memref<1000000x64xf32, #tpu.memory_space<hbm>>
      tpu.wait_indirect_dma semaphore(%arg7 : memref<!tpu.dma_semaphore, #tpu.memory_space<semaphore_mem>>) src(%dma_wait3A_869 : memref<1000000x64xf32, #tpu.memory_space<hbm>>) dst(%dma_wait3A_865 : memref<128x64xf32, #tpu.memory_space<vmem>>)
      %add3A_870 = arith.constant 0 : i32
      %add3A_871 = arith.addi %mul3A_533, %add3A_870 : i32
      %add3A_872 = arith.addi %mul3A_4, %add3A_871 : i32
      %jit3A_873 = arith.constant 64 : i32
      %div3A_874 = arith.divsi %add3A_872, %jit3A_873 : i32
      %sign3A_875 = arith.constant 0 : i32
      %sign3A_876 = arith.cmpi sgt, %add3A_872, %sign3A_875 : i32
      %sign3A_877 = arith.extui %sign3A_876 : i1 to i32
      %sign3A_878 = arith.constant 0 : i32
      %sign3A_879 = arith.cmpi slt, %add3A_872, %sign3A_878 : i32
      %sign3A_880 = arith.extui %sign3A_879 : i1 to i32
      %sign3A_881 = arith.subi %sign3A_877, %sign3A_880 : i32
      %sign3A_882 = arith.constant 0 : i32
      %sign3A_883 = arith.cmpi sgt, %jit3A_873, %sign3A_882 : i32
      %sign3A_884 = arith.extui %sign3A_883 : i1 to i32
      %sign3A_885 = arith.constant 0 : i32
      %sign3A_886 = arith.cmpi slt, %jit3A_873, %sign3A_885 : i32
      %sign3A_887 = arith.extui %sign3A_886 : i1 to i32
      %sign3A_888 = arith.subi %sign3A_884, %sign3A_887 : i32
      %ne3A_889 = arith.cmpi ne, %sign3A_881, %sign3A_888 : i32
      %rem3A_890 = arith.remsi %add3A_872, %jit3A_873 : i32
      %ne3A_891 = arith.constant 0 : i32
      %ne3A_892 = arith.cmpi ne, %rem3A_890, %ne3A_891 : i32
      %and3A_893 = arith.andi %ne3A_889, %ne3A_892 : i1
      %sub3A_894 = arith.constant 1 : i32
      %sub3A_895 = arith.subi %div3A_874, %sub3A_894 : i32
      %select_n3A_896 = arith.select %and3A_893, %sub3A_895, %div3A_874 : i32
      %mul3A_897 = arith.constant 64 : i32
      %mul3A_898 = arith.muli %select_n3A_896, %mul3A_897 : i32
      %sub3A_899 = arith.subi %add3A_872, %mul3A_898 : i32
      %mul3A_900 = arith.constant 256 : i32
      %mul3A_901 = arith.muli %sub3A_899, %mul3A_900 : i32
      %dma_start3A_902 = arith.constant 0 : i32
      %dma_start3A_903 = arith.constant 0 : i32
      %dma_start3A_904 = arith.constant 0 : i32
      %dma_start3A_905 = tpu.memref_slice %arg6[%dma_start3A_902, %dma_start3A_903, %dma_start3A_904] : memref<4x256x64xf32, #tpu.memory_space<vmem>> -> memref<1x256x64xf32, #tpu.memory_space<vmem>>
      %dma_start3A_906 = tpu.memref_squeeze %dma_start3A_905 : memref<1x256x64xf32, #tpu.memory_space<vmem>> -> memref<256x64xf32, #tpu.memory_space<vmem>>
      %dma_start3A_907 = arith.constant 0 : i32
      %dma_start3A_908 = tpu.memref_slice %arg4[%select_n3A_896, %mul3A_901, %dma_start3A_907] : memref<50x16384x64xf32, #tpu.memory_space<hbm>> -> memref<1x256x64xf32, #tpu.memory_space<hbm>>
      %dma_start3A_909 = tpu.memref_squeeze %dma_start3A_908 : memref<1x256x64xf32, #tpu.memory_space<hbm>> -> memref<256x64xf32, #tpu.memory_space<hbm>>
      %dma_start3A_910 = arith.constant 0 : i32
      %dma_start3A_911 = tpu.memref_slice %arg4[%select_n3A_896, %mul3A_901, %dma_start3A_910] : memref<50x16384x64xf32, #tpu.memory_space<hbm>> -> memref<1x256x64xf32, #tpu.memory_space<hbm>>
      %dma_start3A_912 = tpu.memref_squeeze %dma_start3A_911 : memref<1x256x64xf32, #tpu.memory_space<hbm>> -> memref<256x64xf32, #tpu.memory_space<hbm>>
      %dma_start3A_913 = arith.constant 0 : i32
      %dma_start3A_914 = arith.constant 0 : i32
      %dma_start3A_915 = tpu.memref_slice %arg6[%dma_start3A_902, %dma_start3A_913, %dma_start3A_914] : memref<4x256x64xf32, #tpu.memory_space<vmem>> -> memref<1x256x64xf32, #tpu.memory_space<vmem>>
      %dma_start3A_916 = tpu.memref_squeeze %dma_start3A_915 : memref<1x256x64xf32, #tpu.memory_space<vmem>> -> memref<256x64xf32, #tpu.memory_space<vmem>>
      tpu.enqueue_dma source(%dma_start3A_916 : memref<256x64xf32, #tpu.memory_space<vmem>>) target(%dma_start3A_912 : memref<256x64xf32, #tpu.memory_space<hbm>>) target_semaphore(%arg11 : memref<!tpu.dma_semaphore, #tpu.memory_space<semaphore_mem>>)
      %add3A_917 = arith.constant 1 : i32
      %add3A_918 = arith.addi %mul3A_533, %add3A_917 : i32
      %mul3A_919 = arith.constant 256 : i32
      %mul3A_920 = arith.muli %add3A_918, %mul3A_919 : i32
      %add3A_921 = arith.constant 0 : i32
      %add3A_922 = arith.addi %mul3A_920, %add3A_921 : i32
      %dma_wait3A_923 = arith.constant 1 : i32
      %dma_wait3A_924 = arith.constant 0 : i32
      %dma_wait3A_925 = arith.constant 0 : i32
      %dma_wait3A_926 = tpu.memref_slice %arg6[%dma_wait3A_923, %dma_wait3A_924, %dma_wait3A_925] : memref<4x256x64xf32, #tpu.memory_space<vmem>> -> memref<1x128x64xf32, #tpu.memory_space<vmem>>
      %dma_wait3A_927 = tpu.memref_squeeze %dma_wait3A_926 : memref<1x128x64xf32, #tpu.memory_space<vmem>> -> memref<128x64xf32, #tpu.memory_space<vmem>>
      %dma_wait3A_928 = tpu.memref_slice %arg5[%add3A_922] : memref<25600xi32, #tpu.memory_space<vmem>> -> memref<128xi32, #tpu.memory_space<vmem>>
      %dma_wait3A_929 = arith.constant 0 : i32
      %dma_wait3A_930 = arith.constant 0 : i32
      %dma_wait3A_931 = tpu.memref_slice %arg2[%dma_wait3A_929, %dma_wait3A_930] : memref<1000000x64xf32, #tpu.memory_space<hbm>> -> memref<1000000x64xf32, #tpu.memory_space<hbm>>
      tpu.wait_indirect_dma semaphore(%arg8 : memref<!tpu.dma_semaphore, #tpu.memory_space<semaphore_mem>>) src(%dma_wait3A_931 : memref<1000000x64xf32, #tpu.memory_space<hbm>>) dst(%dma_wait3A_927 : memref<128x64xf32, #tpu.memory_space<vmem>>)
      %mul3A_932 = arith.constant 256 : i32
      %mul3A_933 = arith.muli %add3A_918, %mul3A_932 : i32
      %add3A_934 = arith.constant 128 : i32
      %add3A_935 = arith.addi %mul3A_933, %add3A_934 : i32
      %dma_wait3A_936 = arith.constant 1 : i32
      %dma_wait3A_937 = arith.constant 128 : i32
      %dma_wait3A_938 = arith.constant 0 : i32
      %dma_wait3A_939 = tpu.memref_slice %arg6[%dma_wait3A_936, %dma_wait3A_937, %dma_wait3A_938] : memref<4x256x64xf32, #tpu.memory_space<vmem>> -> memref<1x128x64xf32, #tpu.memory_space<vmem>>
      %dma_wait3A_940 = tpu.memref_squeeze %dma_wait3A_939 : memref<1x128x64xf32, #tpu.memory_space<vmem>> -> memref<128x64xf32, #tpu.memory_space<vmem>>
      %dma_wait3A_941 = tpu.memref_slice %arg5[%add3A_935] : memref<25600xi32, #tpu.memory_space<vmem>> -> memref<128xi32, #tpu.memory_space<vmem>>
      %dma_wait3A_942 = arith.constant 0 : i32
      %dma_wait3A_943 = arith.constant 0 : i32
      %dma_wait3A_944 = tpu.memref_slice %arg2[%dma_wait3A_942, %dma_wait3A_943] : memref<1000000x64xf32, #tpu.memory_space<hbm>> -> memref<1000000x64xf32, #tpu.memory_space<hbm>>
      tpu.wait_indirect_dma semaphore(%arg8 : memref<!tpu.dma_semaphore, #tpu.memory_space<semaphore_mem>>) src(%dma_wait3A_944 : memref<1000000x64xf32, #tpu.memory_space<hbm>>) dst(%dma_wait3A_940 : memref<128x64xf32, #tpu.memory_space<vmem>>)
      %add3A_945 = arith.constant 1 : i32
      %add3A_946 = arith.addi %mul3A_533, %add3A_945 : i32
      %add3A_947 = arith.addi %mul3A_4, %add3A_946 : i32
      %jit3A_948 = arith.constant 64 : i32
      %div3A_949 = arith.divsi %add3A_947, %jit3A_948 : i32
      %sign3A_950 = arith.constant 0 : i32
      %sign3A_951 = arith.cmpi sgt, %add3A_947, %sign3A_950 : i32
      %sign3A_952 = arith.extui %sign3A_951 : i1 to i32
      %sign3A_953 = arith.constant 0 : i32
      %sign3A_954 = arith.cmpi slt, %add3A_947, %sign3A_953 : i32
      %sign3A_955 = arith.extui %sign3A_954 : i1 to i32
      %sign3A_956 = arith.subi %sign3A_952, %sign3A_955 : i32
      %sign3A_957 = arith.constant 0 : i32
      %sign3A_958 = arith.cmpi sgt, %jit3A_948, %sign3A_957 : i32
      %sign3A_959 = arith.extui %sign3A_958 : i1 to i32
      %sign3A_960 = arith.constant 0 : i32
      %sign3A_961 = arith.cmpi slt, %jit3A_948, %sign3A_960 : i32
      %sign3A_962 = arith.extui %sign3A_961 : i1 to i32
      %sign3A_963 = arith.subi %sign3A_959, %sign3A_962 : i32
      %ne3A_964 = arith.cmpi ne, %sign3A_956, %sign3A_963 : i32
      %rem3A_965 = arith.remsi %add3A_947, %jit3A_948 : i32
      %ne3A_966 = arith.constant 0 : i32
      %ne3A_967 = arith.cmpi ne, %rem3A_965, %ne3A_966 : i32
      %and3A_968 = arith.andi %ne3A_964, %ne3A_967 : i1
      %sub3A_969 = arith.constant 1 : i32
      %sub3A_970 = arith.subi %div3A_949, %sub3A_969 : i32
      %select_n3A_971 = arith.select %and3A_968, %sub3A_970, %div3A_949 : i32
      %mul3A_972 = arith.constant 64 : i32
      %mul3A_973 = arith.muli %select_n3A_971, %mul3A_972 : i32
      %sub3A_974 = arith.subi %add3A_947, %mul3A_973 : i32
      %mul3A_975 = arith.constant 256 : i32
      %mul3A_976 = arith.muli %sub3A_974, %mul3A_975 : i32
      %dma_start3A_977 = arith.constant 1 : i32
      %dma_start3A_978 = arith.constant 0 : i32
      %dma_start3A_979 = arith.constant 0 : i32
      %dma_start3A_980 = tpu.memref_slice %arg6[%dma_start3A_977, %dma_start3A_978, %dma_start3A_979] : memref<4x256x64xf32, #tpu.memory_space<vmem>> -> memref<1x256x64xf32, #tpu.memory_space<vmem>>
      %dma_start3A_981 = tpu.memref_squeeze %dma_start3A_980 : memref<1x256x64xf32, #tpu.memory_space<vmem>> -> memref<256x64xf32, #tpu.memory_space<vmem>>
      %dma_start3A_982 = arith.constant 0 : i32
      %dma_start3A_983 = tpu.memref_slice %arg4[%select_n3A_971, %mul3A_976, %dma_start3A_982] : memref<50x16384x64xf32, #tpu.memory_space<hbm>> -> memref<1x256x64xf32, #tpu.memory_space<hbm>>
      %dma_start3A_984 = tpu.memref_squeeze %dma_start3A_983 : memref<1x256x64xf32, #tpu.memory_space<hbm>> -> memref<256x64xf32, #tpu.memory_space<hbm>>
      %dma_start3A_985 = arith.constant 0 : i32
      %dma_start3A_986 = tpu.memref_slice %arg4[%select_n3A_971, %mul3A_976, %dma_start3A_985] : memref<50x16384x64xf32, #tpu.memory_space<hbm>> -> memref<1x256x64xf32, #tpu.memory_space<hbm>>
      %dma_start3A_987 = tpu.memref_squeeze %dma_start3A_986 : memref<1x256x64xf32, #tpu.memory_space<hbm>> -> memref<256x64xf32, #tpu.memory_space<hbm>>
      %dma_start3A_988 = arith.constant 0 : i32
      %dma_start3A_989 = arith.constant 0 : i32
      %dma_start3A_990 = tpu.memref_slice %arg6[%dma_start3A_977, %dma_start3A_988, %dma_start3A_989] : memref<4x256x64xf32, #tpu.memory_space<vmem>> -> memref<1x256x64xf32, #tpu.memory_space<vmem>>
      %dma_start3A_991 = tpu.memref_squeeze %dma_start3A_990 : memref<1x256x64xf32, #tpu.memory_space<vmem>> -> memref<256x64xf32, #tpu.memory_space<vmem>>
      tpu.enqueue_dma source(%dma_start3A_991 : memref<256x64xf32, #tpu.memory_space<vmem>>) target(%dma_start3A_987 : memref<256x64xf32, #tpu.memory_space<hbm>>) target_semaphore(%arg12 : memref<!tpu.dma_semaphore, #tpu.memory_space<semaphore_mem>>)
      %add3A_992 = arith.constant 2 : i32
      %add3A_993 = arith.addi %mul3A_533, %add3A_992 : i32
      %mul3A_994 = arith.constant 256 : i32
      %mul3A_995 = arith.muli %add3A_993, %mul3A_994 : i32
      %add3A_996 = arith.constant 0 : i32
      %add3A_997 = arith.addi %mul3A_995, %add3A_996 : i32
      %dma_wait3A_998 = arith.constant 2 : i32
      %dma_wait3A_999 = arith.constant 0 : i32
      %dma_wait3A_1000 = arith.constant 0 : i32
      %dma_wait3A_1001 = tpu.memref_slice %arg6[%dma_wait3A_998, %dma_wait3A_999, %dma_wait3A_1000] : memref<4x256x64xf32, #tpu.memory_space<vmem>> -> memref<1x128x64xf32, #tpu.memory_space<vmem>>
      %dma_wait3A_1002 = tpu.memref_squeeze %dma_wait3A_1001 : memref<1x128x64xf32, #tpu.memory_space<vmem>> -> memref<128x64xf32, #tpu.memory_space<vmem>>
      %dma_wait3A_1003 = tpu.memref_slice %arg5[%add3A_997] : memref<25600xi32, #tpu.memory_space<vmem>> -> memref<128xi32, #tpu.memory_space<vmem>>
      %dma_wait3A_1004 = arith.constant 0 : i32
      %dma_wait3A_1005 = arith.constant 0 : i32
      %dma_wait3A_1006 = tpu.memref_slice %arg2[%dma_wait3A_1004, %dma_wait3A_1005] : memref<1000000x64xf32, #tpu.memory_space<hbm>> -> memref<1000000x64xf32, #tpu.memory_space<hbm>>
      tpu.wait_indirect_dma semaphore(%arg9 : memref<!tpu.dma_semaphore, #tpu.memory_space<semaphore_mem>>) src(%dma_wait3A_1006 : memref<1000000x64xf32, #tpu.memory_space<hbm>>) dst(%dma_wait3A_1002 : memref<128x64xf32, #tpu.memory_space<vmem>>)
      %mul3A_1007 = arith.constant 256 : i32
      %mul3A_1008 = arith.muli %add3A_993, %mul3A_1007 : i32
      %add3A_1009 = arith.constant 128 : i32
      %add3A_1010 = arith.addi %mul3A_1008, %add3A_1009 : i32
      %dma_wait3A_1011 = arith.constant 2 : i32
      %dma_wait3A_1012 = arith.constant 128 : i32
      %dma_wait3A_1013 = arith.constant 0 : i32
      %dma_wait3A_1014 = tpu.memref_slice %arg6[%dma_wait3A_1011, %dma_wait3A_1012, %dma_wait3A_1013] : memref<4x256x64xf32, #tpu.memory_space<vmem>> -> memref<1x128x64xf32, #tpu.memory_space<vmem>>
      %dma_wait3A_1015 = tpu.memref_squeeze %dma_wait3A_1014 : memref<1x128x64xf32, #tpu.memory_space<vmem>> -> memref<128x64xf32, #tpu.memory_space<vmem>>
      %dma_wait3A_1016 = tpu.memref_slice %arg5[%add3A_1010] : memref<25600xi32, #tpu.memory_space<vmem>> -> memref<128xi32, #tpu.memory_space<vmem>>
      %dma_wait3A_1017 = arith.constant 0 : i32
      %dma_wait3A_1018 = arith.constant 0 : i32
      %dma_wait3A_1019 = tpu.memref_slice %arg2[%dma_wait3A_1017, %dma_wait3A_1018] : memref<1000000x64xf32, #tpu.memory_space<hbm>> -> memref<1000000x64xf32, #tpu.memory_space<hbm>>
      tpu.wait_indirect_dma semaphore(%arg9 : memref<!tpu.dma_semaphore, #tpu.memory_space<semaphore_mem>>) src(%dma_wait3A_1019 : memref<1000000x64xf32, #tpu.memory_space<hbm>>) dst(%dma_wait3A_1015 : memref<128x64xf32, #tpu.memory_space<vmem>>)
      %add3A_1020 = arith.constant 2 : i32
      %add3A_1021 = arith.addi %mul3A_533, %add3A_1020 : i32
      %add3A_1022 = arith.addi %mul3A_4, %add3A_1021 : i32
      %jit3A_1023 = arith.constant 64 : i32
      %div3A_1024 = arith.divsi %add3A_1022, %jit3A_1023 : i32
      %sign3A_1025 = arith.constant 0 : i32
      %sign3A_1026 = arith.cmpi sgt, %add3A_1022, %sign3A_1025 : i32
      %sign3A_1027 = arith.extui %sign3A_1026 : i1 to i32
      %sign3A_1028 = arith.constant 0 : i32
      %sign3A_1029 = arith.cmpi slt, %add3A_1022, %sign3A_1028 : i32
      %sign3A_1030 = arith.extui %sign3A_1029 : i1 to i32
      %sign3A_1031 = arith.subi %sign3A_1027, %sign3A_1030 : i32
      %sign3A_1032 = arith.constant 0 : i32
      %sign3A_1033 = arith.cmpi sgt, %jit3A_1023, %sign3A_1032 : i32
      %sign3A_1034 = arith.extui %sign3A_1033 : i1 to i32
      %sign3A_1035 = arith.constant 0 : i32
      %sign3A_1036 = arith.cmpi slt, %jit3A_1023, %sign3A_1035 : i32
      %sign3A_1037 = arith.extui %sign3A_1036 : i1 to i32
      %sign3A_1038 = arith.subi %sign3A_1034, %sign3A_1037 : i32
      %ne3A_1039 = arith.cmpi ne, %sign3A_1031, %sign3A_1038 : i32
      %rem3A_1040 = arith.remsi %add3A_1022, %jit3A_1023 : i32
      %ne3A_1041 = arith.constant 0 : i32
      %ne3A_1042 = arith.cmpi ne, %rem3A_1040, %ne3A_1041 : i32
      %and3A_1043 = arith.andi %ne3A_1039, %ne3A_1042 : i1
      %sub3A_1044 = arith.constant 1 : i32
      %sub3A_1045 = arith.subi %div3A_1024, %sub3A_1044 : i32
      %select_n3A_1046 = arith.select %and3A_1043, %sub3A_1045, %div3A_1024 : i32
      %mul3A_1047 = arith.constant 64 : i32
      %mul3A_1048 = arith.muli %select_n3A_1046, %mul3A_1047 : i32
      %sub3A_1049 = arith.subi %add3A_1022, %mul3A_1048 : i32
      %mul3A_1050 = arith.constant 256 : i32
      %mul3A_1051 = arith.muli %sub3A_1049, %mul3A_1050 : i32
      %dma_start3A_1052 = arith.constant 2 : i32
      %dma_start3A_1053 = arith.constant 0 : i32
      %dma_start3A_1054 = arith.constant 0 : i32
      %dma_start3A_1055 = tpu.memref_slice %arg6[%dma_start3A_1052, %dma_start3A_1053, %dma_start3A_1054] : memref<4x256x64xf32, #tpu.memory_space<vmem>> -> memref<1x256x64xf32, #tpu.memory_space<vmem>>
      %dma_start3A_1056 = tpu.memref_squeeze %dma_start3A_1055 : memref<1x256x64xf32, #tpu.memory_space<vmem>> -> memref<256x64xf32, #tpu.memory_space<vmem>>
      %dma_start3A_1057 = arith.constant 0 : i32
      %dma_start3A_1058 = tpu.memref_slice %arg4[%select_n3A_1046, %mul3A_1051, %dma_start3A_1057] : memref<50x16384x64xf32, #tpu.memory_space<hbm>> -> memref<1x256x64xf32, #tpu.memory_space<hbm>>
      %dma_start3A_1059 = tpu.memref_squeeze %dma_start3A_1058 : memref<1x256x64xf32, #tpu.memory_space<hbm>> -> memref<256x64xf32, #tpu.memory_space<hbm>>
      %dma_start3A_1060 = arith.constant 0 : i32
      %dma_start3A_1061 = tpu.memref_slice %arg4[%select_n3A_1046, %mul3A_1051, %dma_start3A_1060] : memref<50x16384x64xf32, #tpu.memory_space<hbm>> -> memref<1x256x64xf32, #tpu.memory_space<hbm>>
      %dma_start3A_1062 = tpu.memref_squeeze %dma_start3A_1061 : memref<1x256x64xf32, #tpu.memory_space<hbm>> -> memref<256x64xf32, #tpu.memory_space<hbm>>
      %dma_start3A_1063 = arith.constant 0 : i32
      %dma_start3A_1064 = arith.constant 0 : i32
      %dma_start3A_1065 = tpu.memref_slice %arg6[%dma_start3A_1052, %dma_start3A_1063, %dma_start3A_1064] : memref<4x256x64xf32, #tpu.memory_space<vmem>> -> memref<1x256x64xf32, #tpu.memory_space<vmem>>
      %dma_start3A_1066 = tpu.memref_squeeze %dma_start3A_1065 : memref<1x256x64xf32, #tpu.memory_space<vmem>> -> memref<256x64xf32, #tpu.memory_space<vmem>>
      tpu.enqueue_dma source(%dma_start3A_1066 : memref<256x64xf32, #tpu.memory_space<vmem>>) target(%dma_start3A_1062 : memref<256x64xf32, #tpu.memory_space<hbm>>) target_semaphore(%arg13 : memref<!tpu.dma_semaphore, #tpu.memory_space<semaphore_mem>>)
      %add3A_1067 = arith.constant 3 : i32
      %add3A_1068 = arith.addi %mul3A_533, %add3A_1067 : i32
      %mul3A_1069 = arith.constant 256 : i32
      %mul3A_1070 = arith.muli %add3A_1068, %mul3A_1069 : i32
      %add3A_1071 = arith.constant 0 : i32
      %add3A_1072 = arith.addi %mul3A_1070, %add3A_1071 : i32
      %dma_wait3A_1073 = arith.constant 3 : i32
      %dma_wait3A_1074 = arith.constant 0 : i32
      %dma_wait3A_1075 = arith.constant 0 : i32
      %dma_wait3A_1076 = tpu.memref_slice %arg6[%dma_wait3A_1073, %dma_wait3A_1074, %dma_wait3A_1075] : memref<4x256x64xf32, #tpu.memory_space<vmem>> -> memref<1x128x64xf32, #tpu.memory_space<vmem>>
      %dma_wait3A_1077 = tpu.memref_squeeze %dma_wait3A_1076 : memref<1x128x64xf32, #tpu.memory_space<vmem>> -> memref<128x64xf32, #tpu.memory_space<vmem>>
      %dma_wait3A_1078 = tpu.memref_slice %arg5[%add3A_1072] : memref<25600xi32, #tpu.memory_space<vmem>> -> memref<128xi32, #tpu.memory_space<vmem>>
      %dma_wait3A_1079 = arith.constant 0 : i32
      %dma_wait3A_1080 = arith.constant 0 : i32
      %dma_wait3A_1081 = tpu.memref_slice %arg2[%dma_wait3A_1079, %dma_wait3A_1080] : memref<1000000x64xf32, #tpu.memory_space<hbm>> -> memref<1000000x64xf32, #tpu.memory_space<hbm>>
      tpu.wait_indirect_dma semaphore(%arg10 : memref<!tpu.dma_semaphore, #tpu.memory_space<semaphore_mem>>) src(%dma_wait3A_1081 : memref<1000000x64xf32, #tpu.memory_space<hbm>>) dst(%dma_wait3A_1077 : memref<128x64xf32, #tpu.memory_space<vmem>>)
      %mul3A_1082 = arith.constant 256 : i32
      %mul3A_1083 = arith.muli %add3A_1068, %mul3A_1082 : i32
      %add3A_1084 = arith.constant 128 : i32
      %add3A_1085 = arith.addi %mul3A_1083, %add3A_1084 : i32
      %dma_wait3A_1086 = arith.constant 3 : i32
      %dma_wait3A_1087 = arith.constant 128 : i32
      %dma_wait3A_1088 = arith.constant 0 : i32
      %dma_wait3A_1089 = tpu.memref_slice %arg6[%dma_wait3A_1086, %dma_wait3A_1087, %dma_wait3A_1088] : memref<4x256x64xf32, #tpu.memory_space<vmem>> -> memref<1x128x64xf32, #tpu.memory_space<vmem>>
      %dma_wait3A_1090 = tpu.memref_squeeze %dma_wait3A_1089 : memref<1x128x64xf32, #tpu.memory_space<vmem>> -> memref<128x64xf32, #tpu.memory_space<vmem>>
      %dma_wait3A_1091 = tpu.memref_slice %arg5[%add3A_1085] : memref<25600xi32, #tpu.memory_space<vmem>> -> memref<128xi32, #tpu.memory_space<vmem>>
      %dma_wait3A_1092 = arith.constant 0 : i32
      %dma_wait3A_1093 = arith.constant 0 : i32
      %dma_wait3A_1094 = tpu.memref_slice %arg2[%dma_wait3A_1092, %dma_wait3A_1093] : memref<1000000x64xf32, #tpu.memory_space<hbm>> -> memref<1000000x64xf32, #tpu.memory_space<hbm>>
      tpu.wait_indirect_dma semaphore(%arg10 : memref<!tpu.dma_semaphore, #tpu.memory_space<semaphore_mem>>) src(%dma_wait3A_1094 : memref<1000000x64xf32, #tpu.memory_space<hbm>>) dst(%dma_wait3A_1090 : memref<128x64xf32, #tpu.memory_space<vmem>>)
      %add3A_1095 = arith.constant 3 : i32
      %add3A_1096 = arith.addi %mul3A_533, %add3A_1095 : i32
      %add3A_1097 = arith.addi %mul3A_4, %add3A_1096 : i32
      %jit3A_1098 = arith.constant 64 : i32
      %div3A_1099 = arith.divsi %add3A_1097, %jit3A_1098 : i32
      %sign3A_1100 = arith.constant 0 : i32
      %sign3A_1101 = arith.cmpi sgt, %add3A_1097, %sign3A_1100 : i32
      %sign3A_1102 = arith.extui %sign3A_1101 : i1 to i32
      %sign3A_1103 = arith.constant 0 : i32
      %sign3A_1104 = arith.cmpi slt, %add3A_1097, %sign3A_1103 : i32
      %sign3A_1105 = arith.extui %sign3A_1104 : i1 to i32
      %sign3A_1106 = arith.subi %sign3A_1102, %sign3A_1105 : i32
      %sign3A_1107 = arith.constant 0 : i32
      %sign3A_1108 = arith.cmpi sgt, %jit3A_1098, %sign3A_1107 : i32
      %sign3A_1109 = arith.extui %sign3A_1108 : i1 to i32
      %sign3A_1110 = arith.constant 0 : i32
      %sign3A_1111 = arith.cmpi slt, %jit3A_1098, %sign3A_1110 : i32
      %sign3A_1112 = arith.extui %sign3A_1111 : i1 to i32
      %sign3A_1113 = arith.subi %sign3A_1109, %sign3A_1112 : i32
      %ne3A_1114 = arith.cmpi ne, %sign3A_1106, %sign3A_1113 : i32
      %rem3A_1115 = arith.remsi %add3A_1097, %jit3A_1098 : i32
      %ne3A_1116 = arith.constant 0 : i32
      %ne3A_1117 = arith.cmpi ne, %rem3A_1115, %ne3A_1116 : i32
      %and3A_1118 = arith.andi %ne3A_1114, %ne3A_1117 : i1
      %sub3A_1119 = arith.constant 1 : i32
      %sub3A_1120 = arith.subi %div3A_1099, %sub3A_1119 : i32
      %select_n3A_1121 = arith.select %and3A_1118, %sub3A_1120, %div3A_1099 : i32
      %mul3A_1122 = arith.constant 64 : i32
      %mul3A_1123 = arith.muli %select_n3A_1121, %mul3A_1122 : i32
      %sub3A_1124 = arith.subi %add3A_1097, %mul3A_1123 : i32
      %mul3A_1125 = arith.constant 256 : i32
      %mul3A_1126 = arith.muli %sub3A_1124, %mul3A_1125 : i32
      %dma_start3A_1127 = arith.constant 3 : i32
      %dma_start3A_1128 = arith.constant 0 : i32
      %dma_start3A_1129 = arith.constant 0 : i32
      %dma_start3A_1130 = tpu.memref_slice %arg6[%dma_start3A_1127, %dma_start3A_1128, %dma_start3A_1129] : memref<4x256x64xf32, #tpu.memory_space<vmem>> -> memref<1x256x64xf32, #tpu.memory_space<vmem>>
      %dma_start3A_1131 = tpu.memref_squeeze %dma_start3A_1130 : memref<1x256x64xf32, #tpu.memory_space<vmem>> -> memref<256x64xf32, #tpu.memory_space<vmem>>
      %dma_start3A_1132 = arith.constant 0 : i32
      %dma_start3A_1133 = tpu.memref_slice %arg4[%select_n3A_1121, %mul3A_1126, %dma_start3A_1132] : memref<50x16384x64xf32, #tpu.memory_space<hbm>> -> memref<1x256x64xf32, #tpu.memory_space<hbm>>
      %dma_start3A_1134 = tpu.memref_squeeze %dma_start3A_1133 : memref<1x256x64xf32, #tpu.memory_space<hbm>> -> memref<256x64xf32, #tpu.memory_space<hbm>>
      %dma_start3A_1135 = arith.constant 0 : i32
      %dma_start3A_1136 = tpu.memref_slice %arg4[%select_n3A_1121, %mul3A_1126, %dma_start3A_1135] : memref<50x16384x64xf32, #tpu.memory_space<hbm>> -> memref<1x256x64xf32, #tpu.memory_space<hbm>>
      %dma_start3A_1137 = tpu.memref_squeeze %dma_start3A_1136 : memref<1x256x64xf32, #tpu.memory_space<hbm>> -> memref<256x64xf32, #tpu.memory_space<hbm>>
      %dma_start3A_1138 = arith.constant 0 : i32
      %dma_start3A_1139 = arith.constant 0 : i32
      %dma_start3A_1140 = tpu.memref_slice %arg6[%dma_start3A_1127, %dma_start3A_1138, %dma_start3A_1139] : memref<4x256x64xf32, #tpu.memory_space<vmem>> -> memref<1x256x64xf32, #tpu.memory_space<vmem>>
      %dma_start3A_1141 = tpu.memref_squeeze %dma_start3A_1140 : memref<1x256x64xf32, #tpu.memory_space<vmem>> -> memref<256x64xf32, #tpu.memory_space<vmem>>
      tpu.enqueue_dma source(%dma_start3A_1141 : memref<256x64xf32, #tpu.memory_space<vmem>>) target(%dma_start3A_1137 : memref<256x64xf32, #tpu.memory_space<hbm>>) target_semaphore(%arg14 : memref<!tpu.dma_semaphore, #tpu.memory_space<semaphore_mem>>)
    }
    %scan3A_342 = arith.constant 24 : i32
    %add3A_343 = arith.constant 96 : i32
    %add3A_344 = arith.addi %mul3A_4, %add3A_343 : i32
    %jit3A_345 = arith.constant 64 : i32
    %div3A_346 = arith.divsi %add3A_344, %jit3A_345 : i32
    %sign3A_347 = arith.constant 0 : i32
    %sign3A_348 = arith.cmpi sgt, %add3A_344, %sign3A_347 : i32
    %sign3A_349 = arith.extui %sign3A_348 : i1 to i32
    %sign3A_350 = arith.constant 0 : i32
    %sign3A_351 = arith.cmpi slt, %add3A_344, %sign3A_350 : i32
    %sign3A_352 = arith.extui %sign3A_351 : i1 to i32
    %sign3A_353 = arith.subi %sign3A_349, %sign3A_352 : i32
    %sign3A_354 = arith.constant 0 : i32
    %sign3A_355 = arith.cmpi sgt, %jit3A_345, %sign3A_354 : i32
    %sign3A_356 = arith.extui %sign3A_355 : i1 to i32
    %sign3A_357 = arith.constant 0 : i32
    %sign3A_358 = arith.cmpi slt, %jit3A_345, %sign3A_357 : i32
    %sign3A_359 = arith.extui %sign3A_358 : i1 to i32
    %sign3A_360 = arith.subi %sign3A_356, %sign3A_359 : i32
    %ne3A_361 = arith.cmpi ne, %sign3A_353, %sign3A_360 : i32
    %rem3A_362 = arith.remsi %add3A_344, %jit3A_345 : i32
    %ne3A_363 = arith.constant 0 : i32
    %ne3A_364 = arith.cmpi ne, %rem3A_362, %ne3A_363 : i32
    %and3A_365 = arith.andi %ne3A_361, %ne3A_364 : i1
    %sub3A_366 = arith.constant 1 : i32
    %sub3A_367 = arith.subi %div3A_346, %sub3A_366 : i32
    %select_n3A_368 = arith.select %and3A_365, %sub3A_367, %div3A_346 : i32
    %mul3A_369 = arith.constant 64 : i32
    %mul3A_370 = arith.muli %select_n3A_368, %mul3A_369 : i32
    %sub3A_371 = arith.subi %add3A_344, %mul3A_370 : i32
    %mul3A_372 = arith.constant 256 : i32
    %mul3A_373 = arith.muli %sub3A_371, %mul3A_372 : i32
    %dma_wait3A_374 = arith.constant 0 : i32
    %dma_wait3A_375 = arith.constant 0 : i32
    %dma_wait3A_376 = arith.constant 0 : i32
    %dma_wait3A_377 = tpu.memref_slice %arg6[%dma_wait3A_374, %dma_wait3A_375, %dma_wait3A_376] : memref<4x256x64xf32, #tpu.memory_space<vmem>> -> memref<1x256x64xf32, #tpu.memory_space<vmem>>
    %dma_wait3A_378 = tpu.memref_squeeze %dma_wait3A_377 : memref<1x256x64xf32, #tpu.memory_space<vmem>> -> memref<256x64xf32, #tpu.memory_space<vmem>>
    %dma_wait3A_379 = arith.constant 0 : i32
    %dma_wait3A_380 = tpu.memref_slice %arg4[%select_n3A_368, %mul3A_373, %dma_wait3A_379] : memref<50x16384x64xf32, #tpu.memory_space<hbm>> -> memref<1x256x64xf32, #tpu.memory_space<hbm>>
    %dma_wait3A_381 = tpu.memref_squeeze %dma_wait3A_380 : memref<1x256x64xf32, #tpu.memory_space<hbm>> -> memref<256x64xf32, #tpu.memory_space<hbm>>
    %dma_wait3A_382 = arith.constant 0 : i32
    %dma_wait3A_383 = tpu.memref_slice %arg4[%select_n3A_368, %mul3A_373, %dma_wait3A_382] : memref<50x16384x64xf32, #tpu.memory_space<hbm>> -> memref<1x256x64xf32, #tpu.memory_space<hbm>>
    %dma_wait3A_384 = tpu.memref_squeeze %dma_wait3A_383 : memref<1x256x64xf32, #tpu.memory_space<hbm>> -> memref<256x64xf32, #tpu.memory_space<hbm>>
    %dma_wait3A_385 = arith.constant 0 : i32
    %dma_wait3A_386 = arith.constant 0 : i32
    %dma_wait3A_387 = tpu.memref_slice %arg6[%dma_wait3A_374, %dma_wait3A_385, %dma_wait3A_386] : memref<4x256x64xf32, #tpu.memory_space<vmem>> -> memref<1x256x64xf32, #tpu.memory_space<vmem>>
    %dma_wait3A_388 = tpu.memref_squeeze %dma_wait3A_387 : memref<1x256x64xf32, #tpu.memory_space<vmem>> -> memref<256x64xf32, #tpu.memory_space<vmem>>
    tpu.wait_dma2 semaphore(%arg11 : memref<!tpu.dma_semaphore, #tpu.memory_space<semaphore_mem>>) src(%dma_wait3A_388 : memref<256x64xf32, #tpu.memory_space<vmem>>) dst(%dma_wait3A_384 : memref<256x64xf32, #tpu.memory_space<hbm>>)
    %add3A_389 = arith.constant 97 : i32
    %add3A_390 = arith.addi %mul3A_4, %add3A_389 : i32
    %jit3A_391 = arith.constant 64 : i32
    %div3A_392 = arith.divsi %add3A_390, %jit3A_391 : i32
    %sign3A_393 = arith.constant 0 : i32
    %sign3A_394 = arith.cmpi sgt, %add3A_390, %sign3A_393 : i32
    %sign3A_395 = arith.extui %sign3A_394 : i1 to i32
    %sign3A_396 = arith.constant 0 : i32
    %sign3A_397 = arith.cmpi slt, %add3A_390, %sign3A_396 : i32
    %sign3A_398 = arith.extui %sign3A_397 : i1 to i32
    %sign3A_399 = arith.subi %sign3A_395, %sign3A_398 : i32
    %sign3A_400 = arith.constant 0 : i32
    %sign3A_401 = arith.cmpi sgt, %jit3A_391, %sign3A_400 : i32
    %sign3A_402 = arith.extui %sign3A_401 : i1 to i32
    %sign3A_403 = arith.constant 0 : i32
    %sign3A_404 = arith.cmpi slt, %jit3A_391, %sign3A_403 : i32
    %sign3A_405 = arith.extui %sign3A_404 : i1 to i32
    %sign3A_406 = arith.subi %sign3A_402, %sign3A_405 : i32
    %ne3A_407 = arith.cmpi ne, %sign3A_399, %sign3A_406 : i32
    %rem3A_408 = arith.remsi %add3A_390, %jit3A_391 : i32
    %ne3A_409 = arith.constant 0 : i32
    %ne3A_410 = arith.cmpi ne, %rem3A_408, %ne3A_409 : i32
    %and3A_411 = arith.andi %ne3A_407, %ne3A_410 : i1
    %sub3A_412 = arith.constant 1 : i32
    %sub3A_413 = arith.subi %div3A_392, %sub3A_412 : i32
    %select_n3A_414 = arith.select %and3A_411, %sub3A_413, %div3A_392 : i32
    %mul3A_415 = arith.constant 64 : i32
    %mul3A_416 = arith.muli %select_n3A_414, %mul3A_415 : i32
    %sub3A_417 = arith.subi %add3A_390, %mul3A_416 : i32
    %mul3A_418 = arith.constant 256 : i32
    %mul3A_419 = arith.muli %sub3A_417, %mul3A_418 : i32
    %dma_wait3A_420 = arith.constant 1 : i32
    %dma_wait3A_421 = arith.constant 0 : i32
    %dma_wait3A_422 = arith.constant 0 : i32
    %dma_wait3A_423 = tpu.memref_slice %arg6[%dma_wait3A_420, %dma_wait3A_421, %dma_wait3A_422] : memref<4x256x64xf32, #tpu.memory_space<vmem>> -> memref<1x256x64xf32, #tpu.memory_space<vmem>>
    %dma_wait3A_424 = tpu.memref_squeeze %dma_wait3A_423 : memref<1x256x64xf32, #tpu.memory_space<vmem>> -> memref<256x64xf32, #tpu.memory_space<vmem>>
    %dma_wait3A_425 = arith.constant 0 : i32
    %dma_wait3A_426 = tpu.memref_slice %arg4[%select_n3A_414, %mul3A_419, %dma_wait3A_425] : memref<50x16384x64xf32, #tpu.memory_space<hbm>> -> memref<1x256x64xf32, #tpu.memory_space<hbm>>
    %dma_wait3A_427 = tpu.memref_squeeze %dma_wait3A_426 : memref<1x256x64xf32, #tpu.memory_space<hbm>> -> memref<256x64xf32, #tpu.memory_space<hbm>>
    %dma_wait3A_428 = arith.constant 0 : i32
    %dma_wait3A_429 = tpu.memref_slice %arg4[%select_n3A_414, %mul3A_419, %dma_wait3A_428] : memref<50x16384x64xf32, #tpu.memory_space<hbm>> -> memref<1x256x64xf32, #tpu.memory_space<hbm>>
    %dma_wait3A_430 = tpu.memref_squeeze %dma_wait3A_429 : memref<1x256x64xf32, #tpu.memory_space<hbm>> -> memref<256x64xf32, #tpu.memory_space<hbm>>
    %dma_wait3A_431 = arith.constant 0 : i32
    %dma_wait3A_432 = arith.constant 0 : i32
    %dma_wait3A_433 = tpu.memref_slice %arg6[%dma_wait3A_420, %dma_wait3A_431, %dma_wait3A_432] : memref<4x256x64xf32, #tpu.memory_space<vmem>> -> memref<1x256x64xf32, #tpu.memory_space<vmem>>
    %dma_wait3A_434 = tpu.memref_squeeze %dma_wait3A_433 : memref<1x256x64xf32, #tpu.memory_space<vmem>> -> memref<256x64xf32, #tpu.memory_space<vmem>>
    tpu.wait_dma2 semaphore(%arg12 : memref<!tpu.dma_semaphore, #tpu.memory_space<semaphore_mem>>) src(%dma_wait3A_434 : memref<256x64xf32, #tpu.memory_space<vmem>>) dst(%dma_wait3A_430 : memref<256x64xf32, #tpu.memory_space<hbm>>)
    %add3A_435 = arith.constant 98 : i32
    %add3A_436 = arith.addi %mul3A_4, %add3A_435 : i32
    %jit3A_437 = arith.constant 64 : i32
    %div3A_438 = arith.divsi %add3A_436, %jit3A_437 : i32
    %sign3A_439 = arith.constant 0 : i32
    %sign3A_440 = arith.cmpi sgt, %add3A_436, %sign3A_439 : i32
    %sign3A_441 = arith.extui %sign3A_440 : i1 to i32
    %sign3A_442 = arith.constant 0 : i32
    %sign3A_443 = arith.cmpi slt, %add3A_436, %sign3A_442 : i32
    %sign3A_444 = arith.extui %sign3A_443 : i1 to i32
    %sign3A_445 = arith.subi %sign3A_441, %sign3A_444 : i32
    %sign3A_446 = arith.constant 0 : i32
    %sign3A_447 = arith.cmpi sgt, %jit3A_437, %sign3A_446 : i32
    %sign3A_448 = arith.extui %sign3A_447 : i1 to i32
    %sign3A_449 = arith.constant 0 : i32
    %sign3A_450 = arith.cmpi slt, %jit3A_437, %sign3A_449 : i32
    %sign3A_451 = arith.extui %sign3A_450 : i1 to i32
    %sign3A_452 = arith.subi %sign3A_448, %sign3A_451 : i32
    %ne3A_453 = arith.cmpi ne, %sign3A_445, %sign3A_452 : i32
    %rem3A_454 = arith.remsi %add3A_436, %jit3A_437 : i32
    %ne3A_455 = arith.constant 0 : i32
    %ne3A_456 = arith.cmpi ne, %rem3A_454, %ne3A_455 : i32
    %and3A_457 = arith.andi %ne3A_453, %ne3A_456 : i1
    %sub3A_458 = arith.constant 1 : i32
    %sub3A_459 = arith.subi %div3A_438, %sub3A_458 : i32
    %select_n3A_460 = arith.select %and3A_457, %sub3A_459, %div3A_438 : i32
    %mul3A_461 = arith.constant 64 : i32
    %mul3A_462 = arith.muli %select_n3A_460, %mul3A_461 : i32
    %sub3A_463 = arith.subi %add3A_436, %mul3A_462 : i32
    %mul3A_464 = arith.constant 256 : i32
    %mul3A_465 = arith.muli %sub3A_463, %mul3A_464 : i32
    %dma_wait3A_466 = arith.constant 2 : i32
    %dma_wait3A_467 = arith.constant 0 : i32
    %dma_wait3A_468 = arith.constant 0 : i32
    %dma_wait3A_469 = tpu.memref_slice %arg6[%dma_wait3A_466, %dma_wait3A_467, %dma_wait3A_468] : memref<4x256x64xf32, #tpu.memory_space<vmem>> -> memref<1x256x64xf32, #tpu.memory_space<vmem>>
    %dma_wait3A_470 = tpu.memref_squeeze %dma_wait3A_469 : memref<1x256x64xf32, #tpu.memory_space<vmem>> -> memref<256x64xf32, #tpu.memory_space<vmem>>
    %dma_wait3A_471 = arith.constant 0 : i32
    %dma_wait3A_472 = tpu.memref_slice %arg4[%select_n3A_460, %mul3A_465, %dma_wait3A_471] : memref<50x16384x64xf32, #tpu.memory_space<hbm>> -> memref<1x256x64xf32, #tpu.memory_space<hbm>>
    %dma_wait3A_473 = tpu.memref_squeeze %dma_wait3A_472 : memref<1x256x64xf32, #tpu.memory_space<hbm>> -> memref<256x64xf32, #tpu.memory_space<hbm>>
    %dma_wait3A_474 = arith.constant 0 : i32
    %dma_wait3A_475 = tpu.memref_slice %arg4[%select_n3A_460, %mul3A_465, %dma_wait3A_474] : memref<50x16384x64xf32, #tpu.memory_space<hbm>> -> memref<1x256x64xf32, #tpu.memory_space<hbm>>
    %dma_wait3A_476 = tpu.memref_squeeze %dma_wait3A_475 : memref<1x256x64xf32, #tpu.memory_space<hbm>> -> memref<256x64xf32, #tpu.memory_space<hbm>>
    %dma_wait3A_477 = arith.constant 0 : i32
    %dma_wait3A_478 = arith.constant 0 : i32
    %dma_wait3A_479 = tpu.memref_slice %arg6[%dma_wait3A_466, %dma_wait3A_477, %dma_wait3A_478] : memref<4x256x64xf32, #tpu.memory_space<vmem>> -> memref<1x256x64xf32, #tpu.memory_space<vmem>>
    %dma_wait3A_480 = tpu.memref_squeeze %dma_wait3A_479 : memref<1x256x64xf32, #tpu.memory_space<vmem>> -> memref<256x64xf32, #tpu.memory_space<vmem>>
    tpu.wait_dma2 semaphore(%arg13 : memref<!tpu.dma_semaphore, #tpu.memory_space<semaphore_mem>>) src(%dma_wait3A_480 : memref<256x64xf32, #tpu.memory_space<vmem>>) dst(%dma_wait3A_476 : memref<256x64xf32, #tpu.memory_space<hbm>>)
    %add3A_481 = arith.constant 99 : i32
    %add3A_482 = arith.addi %mul3A_4, %add3A_481 : i32
    %jit3A_483 = arith.constant 64 : i32
    %div3A_484 = arith.divsi %add3A_482, %jit3A_483 : i32
    %sign3A_485 = arith.constant 0 : i32
    %sign3A_486 = arith.cmpi sgt, %add3A_482, %sign3A_485 : i32
    %sign3A_487 = arith.extui %sign3A_486 : i1 to i32
    %sign3A_488 = arith.constant 0 : i32
    %sign3A_489 = arith.cmpi slt, %add3A_482, %sign3A_488 : i32
    %sign3A_490 = arith.extui %sign3A_489 : i1 to i32
    %sign3A_491 = arith.subi %sign3A_487, %sign3A_490 : i32
    %sign3A_492 = arith.constant 0 : i32
    %sign3A_493 = arith.cmpi sgt, %jit3A_483, %sign3A_492 : i32
    %sign3A_494 = arith.extui %sign3A_493 : i1 to i32
    %sign3A_495 = arith.constant 0 : i32
    %sign3A_496 = arith.cmpi slt, %jit3A_483, %sign3A_495 : i32
    %sign3A_497 = arith.extui %sign3A_496 : i1 to i32
    %sign3A_498 = arith.subi %sign3A_494, %sign3A_497 : i32
    %ne3A_499 = arith.cmpi ne, %sign3A_491, %sign3A_498 : i32
    %rem3A_500 = arith.remsi %add3A_482, %jit3A_483 : i32
    %ne3A_501 = arith.constant 0 : i32
    %ne3A_502 = arith.cmpi ne, %rem3A_500, %ne3A_501 : i32
    %and3A_503 = arith.andi %ne3A_499, %ne3A_502 : i1
    %sub3A_504 = arith.constant 1 : i32
    %sub3A_505 = arith.subi %div3A_484, %sub3A_504 : i32
    %select_n3A_506 = arith.select %and3A_503, %sub3A_505, %div3A_484 : i32
    %mul3A_507 = arith.constant 64 : i32
    %mul3A_508 = arith.muli %select_n3A_506, %mul3A_507 : i32
    %sub3A_509 = arith.subi %add3A_482, %mul3A_508 : i32
    %mul3A_510 = arith.constant 256 : i32
    %mul3A_511 = arith.muli %sub3A_509, %mul3A_510 : i32
    %dma_wait3A_512 = arith.constant 3 : i32
    %dma_wait3A_513 = arith.constant 0 : i32
    %dma_wait3A_514 = arith.constant 0 : i32
    %dma_wait3A_515 = tpu.memref_slice %arg6[%dma_wait3A_512, %dma_wait3A_513, %dma_wait3A_514] : memref<4x256x64xf32, #tpu.memory_space<vmem>> -> memref<1x256x64xf32, #tpu.memory_space<vmem>>
    %dma_wait3A_516 = tpu.memref_squeeze %dma_wait3A_515 : memref<1x256x64xf32, #tpu.memory_space<vmem>> -> memref<256x64xf32, #tpu.memory_space<vmem>>
    %dma_wait3A_517 = arith.constant 0 : i32
    %dma_wait3A_518 = tpu.memref_slice %arg4[%select_n3A_506, %mul3A_511, %dma_wait3A_517] : memref<50x16384x64xf32, #tpu.memory_space<hbm>> -> memref<1x256x64xf32, #tpu.memory_space<hbm>>
    %dma_wait3A_519 = tpu.memref_squeeze %dma_wait3A_518 : memref<1x256x64xf32, #tpu.memory_space<hbm>> -> memref<256x64xf32, #tpu.memory_space<hbm>>
    %dma_wait3A_520 = arith.constant 0 : i32
    %dma_wait3A_521 = tpu.memref_slice %arg4[%select_n3A_506, %mul3A_511, %dma_wait3A_520] : memref<50x16384x64xf32, #tpu.memory_space<hbm>> -> memref<1x256x64xf32, #tpu.memory_space<hbm>>
    %dma_wait3A_522 = tpu.memref_squeeze %dma_wait3A_521 : memref<1x256x64xf32, #tpu.memory_space<hbm>> -> memref<256x64xf32, #tpu.memory_space<hbm>>
    %dma_wait3A_523 = arith.constant 0 : i32
    %dma_wait3A_524 = arith.constant 0 : i32
    %dma_wait3A_525 = tpu.memref_slice %arg6[%dma_wait3A_512, %dma_wait3A_523, %dma_wait3A_524] : memref<4x256x64xf32, #tpu.memory_space<vmem>> -> memref<1x256x64xf32, #tpu.memory_space<vmem>>
    %dma_wait3A_526 = tpu.memref_squeeze %dma_wait3A_525 : memref<1x256x64xf32, #tpu.memory_space<vmem>> -> memref<256x64xf32, #tpu.memory_space<vmem>>
    tpu.wait_dma2 semaphore(%arg14 : memref<!tpu.dma_semaphore, #tpu.memory_space<semaphore_mem>>) src(%dma_wait3A_526 : memref<256x64xf32, #tpu.memory_space<vmem>>) dst(%dma_wait3A_522 : memref<256x64xf32, #tpu.memory_space<hbm>>)
    return
  }
}

#map = affine_map<(d0, d1) -> (0, 0)>
module attributes {stable_mosaic.version = 14 : i64} {
  func.func @k(%arg0: i32, %arg1: i32, %arg2: memref<6400x128xi32, #tpu.memory_space<hbm>>, %arg3: memref<6400x128xi32, #tpu.memory_space<hbm>>, %arg4: memref<128x128xi32, #tpu.memory_space<vmem>>, %arg5: memref<128x128xi32, #tpu.memory_space<vmem>>) attributes {dimension_semantics = [#tpu.dimension_semantics<core_parallel>, #tpu.dimension_semantics<subcore_parallel>], iteration_bounds = array<i64: 2, 16>, scalar_prefetch = 0 : i64, scratch_operands = 2 : i64, tpu.core_type = #tpu.core_type<sc_vector_subcore>, window_params = [{transform_indices = #map}, {transform_indices = #map}]} {
    %mul3A = arith.constant 2 : i32
    %mul3A_0 = arith.muli %arg1, %mul3A : i32
    %add3A = arith.addi %mul3A_0, %arg0 : i32
    %iota3A = tpu.iota {dimensions = array<i32: 0>} : vector<16xi32>
    %jit3A = arith.constant 2 : i32
    %div3A = vector.broadcast %jit3A : i32 to vector<16xi32>
    %div3A_1 = arith.divsi %iota3A, %div3A : vector<16xi32>
    %sign3A = arith.constant 0 : i32
    %sign3A_2 = vector.broadcast %sign3A : i32 to vector<16xi32>
    %sign3A_3 = arith.cmpi sgt, %iota3A, %sign3A_2 : vector<16xi32>
    %sign3A_4 = arith.extui %sign3A_3 : vector<16xi1> to vector<16xi32>
    %sign3A_5 = arith.constant 0 : i32
    %sign3A_6 = vector.broadcast %sign3A_5 : i32 to vector<16xi32>
    %sign3A_7 = arith.cmpi slt, %iota3A, %sign3A_6 : vector<16xi32>
    %sign3A_8 = arith.extui %sign3A_7 : vector<16xi1> to vector<16xi32>
    %sign3A_9 = arith.subi %sign3A_4, %sign3A_8 : vector<16xi32>
    %sign3A_10 = arith.constant 0 : i32
    %sign3A_11 = arith.cmpi sgt, %jit3A, %sign3A_10 : i32
    %sign3A_12 = arith.extui %sign3A_11 : i1 to i32
    %sign3A_13 = arith.constant 0 : i32
    %sign3A_14 = arith.cmpi slt, %jit3A, %sign3A_13 : i32
    %sign3A_15 = arith.extui %sign3A_14 : i1 to i32
    %sign3A_16 = arith.subi %sign3A_12, %sign3A_15 : i32
    %ne3A = vector.broadcast %sign3A_16 : i32 to vector<16xi32>
    %ne3A_17 = arith.cmpi ne, %sign3A_9, %ne3A : vector<16xi32>
    %rem3A = vector.broadcast %jit3A : i32 to vector<16xi32>
    %rem3A_18 = arith.remsi %iota3A, %rem3A : vector<16xi32>
    %ne3A_19 = arith.constant 0 : i32
    %ne3A_20 = vector.broadcast %ne3A_19 : i32 to vector<16xi32>
    %ne3A_21 = arith.cmpi ne, %rem3A_18, %ne3A_20 : vector<16xi32>
    %and3A = arith.andi %ne3A_17, %ne3A_21 : vector<16xi1>
    %sub3A = arith.constant 1 : i32
    %sub3A_22 = vector.broadcast %sub3A : i32 to vector<16xi32>
    %sub3A_23 = arith.subi %div3A_1, %sub3A_22 : vector<16xi32>
    %select_n3A = arith.select %and3A, %sub3A_23, %div3A_1 : vector<16xi1>, vector<16xi32>
    %jit3A_24 = arith.constant 2 : i32
    %eq3A = arith.constant 0 : i32
    %eq3A_25 = arith.cmpi eq, %jit3A_24, %eq3A : i32
    %jit3A_26 = arith.constant 1 : i32
    %select_n3A_27 = arith.select %eq3A_25, %jit3A_26, %jit3A_24 : i32
    %rem3A_28 = vector.broadcast %select_n3A_27 : i32 to vector<16xi32>
    %rem3A_29 = arith.remsi %iota3A, %rem3A_28 : vector<16xi32>
    %ne3A_30 = arith.constant 0 : i32
    %ne3A_31 = vector.broadcast %ne3A_30 : i32 to vector<16xi32>
    %ne3A_32 = arith.cmpi ne, %rem3A_29, %ne3A_31 : vector<16xi32>
    %lt3A = arith.constant 0 : i32
    %lt3A_33 = vector.broadcast %lt3A : i32 to vector<16xi32>
    %lt3A_34 = arith.cmpi slt, %rem3A_29, %lt3A_33 : vector<16xi32>
    %lt3A_35 = arith.constant 0 : i32
    %lt3A_36 = arith.cmpi slt, %select_n3A_27, %lt3A_35 : i32
    %ne3A_37 = vector.broadcast %lt3A_36 : i1 to vector<16xi1>
    %ne3A_38 = vector.broadcast %ne3A_37 : vector<16xi1> to vector<16xi1>
    %ne3A_39 = arith.xori %lt3A_34, %ne3A_38 : vector<16xi1>
    %and3A_40 = arith.andi %ne3A_39, %ne3A_32 : vector<16xi1>
    %add3A_41 = vector.broadcast %select_n3A_27 : i32 to vector<16xi32>
    %add3A_42 = arith.addi %rem3A_29, %add3A_41 : vector<16xi32>
    %select_n3A_43 = arith.select %and3A_40, %add3A_42, %rem3A_29 : vector<16xi1>, vector<16xi32>
    %mul3A_44 = arith.constant 8192 : i32
    %mul3A_45 = vector.broadcast %mul3A_44 : i32 to vector<16xi32>
    %mul3A_46 = arith.muli %select_n3A_43, %mul3A_45 : vector<16xi32>
    %add3A_47 = arith.addi %select_n3A, %mul3A_46 : vector<16xi32>
    %mul3A_48 = arith.constant 128 : i32
    %mul3A_49 = arith.muli %add3A, %mul3A_48 : i32
    "tpu.region"() ({
      %run_scoped3A = tpu.sem_alloc : memref<!tpu.dma_semaphore, #tpu.memory_space<semaphore_mem>>
      %dma_start3A = arith.constant 0 : i32
      %dma_start3A_61 = tpu.memref_slice %arg2[%mul3A_49, %dma_start3A] : memref<6400x128xi32, #tpu.memory_space<hbm>> -> memref<128x128xi32, #tpu.memory_space<hbm>>
      %dma_start3A_62 = arith.constant 0 : i32
      %dma_start3A_63 = tpu.memref_slice %arg2[%mul3A_49, %dma_start3A_62] : memref<6400x128xi32, #tpu.memory_space<hbm>> -> memref<128x128xi32, #tpu.memory_space<hbm>>
      tpu.enqueue_dma source(%dma_start3A_63 : memref<128x128xi32, #tpu.memory_space<hbm>>) target(%arg4 : memref<128x128xi32, #tpu.memory_space<vmem>>) target_semaphore(%run_scoped3A : memref<!tpu.dma_semaphore, #tpu.memory_space<semaphore_mem>>)
      %dma_wait3A = arith.constant 0 : i32
      %dma_wait3A_64 = tpu.memref_slice %arg2[%mul3A_49, %dma_wait3A] : memref<6400x128xi32, #tpu.memory_space<hbm>> -> memref<128x128xi32, #tpu.memory_space<hbm>>
      %dma_wait3A_65 = arith.constant 0 : i32
      %dma_wait3A_66 = tpu.memref_slice %arg2[%mul3A_49, %dma_wait3A_65] : memref<6400x128xi32, #tpu.memory_space<hbm>> -> memref<128x128xi32, #tpu.memory_space<hbm>>
      tpu.wait_dma2 semaphore(%run_scoped3A : memref<!tpu.dma_semaphore, #tpu.memory_space<semaphore_mem>>) src(%dma_wait3A_66 : memref<128x128xi32, #tpu.memory_space<hbm>>) dst(%arg4 : memref<128x128xi32, #tpu.memory_space<vmem>>)
      tpu.yield
    }) : () -> ()
    %scan3A = arith.constant 0 : i32
    %scan3A_50 = arith.constant 128 : i32
    %scan3A_51 = arith.addi %scan3A, %scan3A_50 : i32
    %scan3A_52 = arith.constant 1 : i32
    scf.for %scan3A_61 = %scan3A to %scan3A_51 step %scan3A_52  : i32 {
      %mul3A_62 = arith.constant 1 : i32
      %mul3A_63 = arith.muli %scan3A_61, %mul3A_62 : i32
      %add3A_64 = arith.constant 0 : i32
      %add3A_65 = arith.addi %add3A_64, %mul3A_63 : i32
      %mul3A_66 = arith.constant 64 : i32
      %mul3A_67 = arith.muli %add3A_65, %mul3A_66 : i32
      %add3A_68 = arith.constant 0 : i32
      %add3A_69 = arith.addi %mul3A_67, %add3A_68 : i32
      %add3A_70 = vector.broadcast %add3A_69 : i32 to vector<16xi32>
      %add3A_71 = arith.addi %add3A_47, %add3A_70 : vector<16xi32>
      %shift_right_arithmetic3A = arith.constant 7 : i32
      %shift_right_arithmetic3A_72 = vector.broadcast %shift_right_arithmetic3A : i32 to vector<16xi32>
      %shift_right_arithmetic3A_73 = arith.shrsi %add3A_71, %shift_right_arithmetic3A_72 : vector<16xi32>
      %and3A_74 = arith.constant 127 : i32
      %and3A_75 = vector.broadcast %and3A_74 : i32 to vector<16xi32>
      %and3A_76 = arith.andi %add3A_71, %and3A_75 : vector<16xi32>
      %gather3A = tpu.vector_load_idx %arg4[%shift_right_arithmetic3A_73, %and3A_76] : memref<128x128xi32, #tpu.memory_space<vmem>>[vector<16xi32>, vector<16xi32>], vector<16xi32>,
      %swap3A = arith.index_cast %add3A_65 : i32 to index
      %swap3A_77 = arith.constant 0 : index
      %swap3A_78 = tpu.vector_load %arg5[%swap3A, %swap3A_77] {strides = array<i32>} : memref<128x128xi32, #tpu.memory_space<vmem>>, vector<16xi32>,
      tpu.vector_store %arg5[%swap3A, %swap3A_77], %gather3A {strides = array<i32>} : memref<128x128xi32, #tpu.memory_space<vmem>>, vector<16xi32>,
      %mul3A_79 = arith.constant 64 : i32
      %mul3A_80 = arith.muli %add3A_65, %mul3A_79 : i32
      %add3A_81 = arith.constant 8 : i32
      %add3A_82 = arith.addi %mul3A_80, %add3A_81 : i32
      %add3A_83 = vector.broadcast %add3A_82 : i32 to vector<16xi32>
      %add3A_84 = arith.addi %add3A_47, %add3A_83 : vector<16xi32>
      %shift_right_arithmetic3A_85 = arith.constant 7 : i32
      %shift_right_arithmetic3A_86 = vector.broadcast %shift_right_arithmetic3A_85 : i32 to vector<16xi32>
      %shift_right_arithmetic3A_87 = arith.shrsi %add3A_84, %shift_right_arithmetic3A_86 : vector<16xi32>
      %and3A_88 = arith.constant 127 : i32
      %and3A_89 = vector.broadcast %and3A_88 : i32 to vector<16xi32>
      %and3A_90 = arith.andi %add3A_84, %and3A_89 : vector<16xi32>
      %gather3A_91 = tpu.vector_load_idx %arg4[%shift_right_arithmetic3A_87, %and3A_90] : memref<128x128xi32, #tpu.memory_space<vmem>>[vector<16xi32>, vector<16xi32>], vector<16xi32>,
      %swap3A_92 = arith.index_cast %add3A_65 : i32 to index
      %swap3A_93 = arith.constant 16 : index
      %swap3A_94 = tpu.vector_load %arg5[%swap3A_92, %swap3A_93] {strides = array<i32>} : memref<128x128xi32, #tpu.memory_space<vmem>>, vector<16xi32>,
      tpu.vector_store %arg5[%swap3A_92, %swap3A_93], %gather3A_91 {strides = array<i32>} : memref<128x128xi32, #tpu.memory_space<vmem>>, vector<16xi32>,
      %mul3A_95 = arith.constant 64 : i32
      %mul3A_96 = arith.muli %add3A_65, %mul3A_95 : i32
      %add3A_97 = arith.constant 16 : i32
      %add3A_98 = arith.addi %mul3A_96, %add3A_97 : i32
      %add3A_99 = vector.broadcast %add3A_98 : i32 to vector<16xi32>
      %add3A_100 = arith.addi %add3A_47, %add3A_99 : vector<16xi32>
      %shift_right_arithmetic3A_101 = arith.constant 7 : i32
      %shift_right_arithmetic3A_102 = vector.broadcast %shift_right_arithmetic3A_101 : i32 to vector<16xi32>
      %shift_right_arithmetic3A_103 = arith.shrsi %add3A_100, %shift_right_arithmetic3A_102 : vector<16xi32>
      %and3A_104 = arith.constant 127 : i32
      %and3A_105 = vector.broadcast %and3A_104 : i32 to vector<16xi32>
      %and3A_106 = arith.andi %add3A_100, %and3A_105 : vector<16xi32>
      %gather3A_107 = tpu.vector_load_idx %arg4[%shift_right_arithmetic3A_103, %and3A_106] : memref<128x128xi32, #tpu.memory_space<vmem>>[vector<16xi32>, vector<16xi32>], vector<16xi32>,
      %swap3A_108 = arith.index_cast %add3A_65 : i32 to index
      %swap3A_109 = arith.constant 32 : index
      %swap3A_110 = tpu.vector_load %arg5[%swap3A_108, %swap3A_109] {strides = array<i32>} : memref<128x128xi32, #tpu.memory_space<vmem>>, vector<16xi32>,
      tpu.vector_store %arg5[%swap3A_108, %swap3A_109], %gather3A_107 {strides = array<i32>} : memref<128x128xi32, #tpu.memory_space<vmem>>, vector<16xi32>,
      %mul3A_111 = arith.constant 64 : i32
      %mul3A_112 = arith.muli %add3A_65, %mul3A_111 : i32
      %add3A_113 = arith.constant 24 : i32
      %add3A_114 = arith.addi %mul3A_112, %add3A_113 : i32
      %add3A_115 = vector.broadcast %add3A_114 : i32 to vector<16xi32>
      %add3A_116 = arith.addi %add3A_47, %add3A_115 : vector<16xi32>
      %shift_right_arithmetic3A_117 = arith.constant 7 : i32
      %shift_right_arithmetic3A_118 = vector.broadcast %shift_right_arithmetic3A_117 : i32 to vector<16xi32>
      %shift_right_arithmetic3A_119 = arith.shrsi %add3A_116, %shift_right_arithmetic3A_118 : vector<16xi32>
      %and3A_120 = arith.constant 127 : i32
      %and3A_121 = vector.broadcast %and3A_120 : i32 to vector<16xi32>
      %and3A_122 = arith.andi %add3A_116, %and3A_121 : vector<16xi32>
      %gather3A_123 = tpu.vector_load_idx %arg4[%shift_right_arithmetic3A_119, %and3A_122] : memref<128x128xi32, #tpu.memory_space<vmem>>[vector<16xi32>, vector<16xi32>], vector<16xi32>,
      %swap3A_124 = arith.index_cast %add3A_65 : i32 to index
      %swap3A_125 = arith.constant 48 : index
      %swap3A_126 = tpu.vector_load %arg5[%swap3A_124, %swap3A_125] {strides = array<i32>} : memref<128x128xi32, #tpu.memory_space<vmem>>, vector<16xi32>,
      tpu.vector_store %arg5[%swap3A_124, %swap3A_125], %gather3A_123 {strides = array<i32>} : memref<128x128xi32, #tpu.memory_space<vmem>>, vector<16xi32>,
      %mul3A_127 = arith.constant 64 : i32
      %mul3A_128 = arith.muli %add3A_65, %mul3A_127 : i32
      %add3A_129 = arith.constant 32 : i32
      %add3A_130 = arith.addi %mul3A_128, %add3A_129 : i32
      %add3A_131 = vector.broadcast %add3A_130 : i32 to vector<16xi32>
      %add3A_132 = arith.addi %add3A_47, %add3A_131 : vector<16xi32>
      %shift_right_arithmetic3A_133 = arith.constant 7 : i32
      %shift_right_arithmetic3A_134 = vector.broadcast %shift_right_arithmetic3A_133 : i32 to vector<16xi32>
      %shift_right_arithmetic3A_135 = arith.shrsi %add3A_132, %shift_right_arithmetic3A_134 : vector<16xi32>
      %and3A_136 = arith.constant 127 : i32
      %and3A_137 = vector.broadcast %and3A_136 : i32 to vector<16xi32>
      %and3A_138 = arith.andi %add3A_132, %and3A_137 : vector<16xi32>
      %gather3A_139 = tpu.vector_load_idx %arg4[%shift_right_arithmetic3A_135, %and3A_138] : memref<128x128xi32, #tpu.memory_space<vmem>>[vector<16xi32>, vector<16xi32>], vector<16xi32>,
      %swap3A_140 = arith.index_cast %add3A_65 : i32 to index
      %swap3A_141 = arith.constant 64 : index
      %swap3A_142 = tpu.vector_load %arg5[%swap3A_140, %swap3A_141] {strides = array<i32>} : memref<128x128xi32, #tpu.memory_space<vmem>>, vector<16xi32>,
      tpu.vector_store %arg5[%swap3A_140, %swap3A_141], %gather3A_139 {strides = array<i32>} : memref<128x128xi32, #tpu.memory_space<vmem>>, vector<16xi32>,
      %mul3A_143 = arith.constant 64 : i32
      %mul3A_144 = arith.muli %add3A_65, %mul3A_143 : i32
      %add3A_145 = arith.constant 40 : i32
      %add3A_146 = arith.addi %mul3A_144, %add3A_145 : i32
      %add3A_147 = vector.broadcast %add3A_146 : i32 to vector<16xi32>
      %add3A_148 = arith.addi %add3A_47, %add3A_147 : vector<16xi32>
      %shift_right_arithmetic3A_149 = arith.constant 7 : i32
      %shift_right_arithmetic3A_150 = vector.broadcast %shift_right_arithmetic3A_149 : i32 to vector<16xi32>
      %shift_right_arithmetic3A_151 = arith.shrsi %add3A_148, %shift_right_arithmetic3A_150 : vector<16xi32>
      %and3A_152 = arith.constant 127 : i32
      %and3A_153 = vector.broadcast %and3A_152 : i32 to vector<16xi32>
      %and3A_154 = arith.andi %add3A_148, %and3A_153 : vector<16xi32>
      %gather3A_155 = tpu.vector_load_idx %arg4[%shift_right_arithmetic3A_151, %and3A_154] : memref<128x128xi32, #tpu.memory_space<vmem>>[vector<16xi32>, vector<16xi32>], vector<16xi32>,
      %swap3A_156 = arith.index_cast %add3A_65 : i32 to index
      %swap3A_157 = arith.constant 80 : index
      %swap3A_158 = tpu.vector_load %arg5[%swap3A_156, %swap3A_157] {strides = array<i32>} : memref<128x128xi32, #tpu.memory_space<vmem>>, vector<16xi32>,
      tpu.vector_store %arg5[%swap3A_156, %swap3A_157], %gather3A_155 {strides = array<i32>} : memref<128x128xi32, #tpu.memory_space<vmem>>, vector<16xi32>,
      %mul3A_159 = arith.constant 64 : i32
      %mul3A_160 = arith.muli %add3A_65, %mul3A_159 : i32
      %add3A_161 = arith.constant 48 : i32
      %add3A_162 = arith.addi %mul3A_160, %add3A_161 : i32
      %add3A_163 = vector.broadcast %add3A_162 : i32 to vector<16xi32>
      %add3A_164 = arith.addi %add3A_47, %add3A_163 : vector<16xi32>
      %shift_right_arithmetic3A_165 = arith.constant 7 : i32
      %shift_right_arithmetic3A_166 = vector.broadcast %shift_right_arithmetic3A_165 : i32 to vector<16xi32>
      %shift_right_arithmetic3A_167 = arith.shrsi %add3A_164, %shift_right_arithmetic3A_166 : vector<16xi32>
      %and3A_168 = arith.constant 127 : i32
      %and3A_169 = vector.broadcast %and3A_168 : i32 to vector<16xi32>
      %and3A_170 = arith.andi %add3A_164, %and3A_169 : vector<16xi32>
      %gather3A_171 = tpu.vector_load_idx %arg4[%shift_right_arithmetic3A_167, %and3A_170] : memref<128x128xi32, #tpu.memory_space<vmem>>[vector<16xi32>, vector<16xi32>], vector<16xi32>,
      %swap3A_172 = arith.index_cast %add3A_65 : i32 to index
      %swap3A_173 = arith.constant 96 : index
      %swap3A_174 = tpu.vector_load %arg5[%swap3A_172, %swap3A_173] {strides = array<i32>} : memref<128x128xi32, #tpu.memory_space<vmem>>, vector<16xi32>,
      tpu.vector_store %arg5[%swap3A_172, %swap3A_173], %gather3A_171 {strides = array<i32>} : memref<128x128xi32, #tpu.memory_space<vmem>>, vector<16xi32>,
      %mul3A_175 = arith.constant 64 : i32
      %mul3A_176 = arith.muli %add3A_65, %mul3A_175 : i32
      %add3A_177 = arith.constant 56 : i32
      %add3A_178 = arith.addi %mul3A_176, %add3A_177 : i32
      %add3A_179 = vector.broadcast %add3A_178 : i32 to vector<16xi32>
      %add3A_180 = arith.addi %add3A_47, %add3A_179 : vector<16xi32>
      %shift_right_arithmetic3A_181 = arith.constant 7 : i32
      %shift_right_arithmetic3A_182 = vector.broadcast %shift_right_arithmetic3A_181 : i32 to vector<16xi32>
      %shift_right_arithmetic3A_183 = arith.shrsi %add3A_180, %shift_right_arithmetic3A_182 : vector<16xi32>
      %and3A_184 = arith.constant 127 : i32
      %and3A_185 = vector.broadcast %and3A_184 : i32 to vector<16xi32>
      %and3A_186 = arith.andi %add3A_180, %and3A_185 : vector<16xi32>
      %gather3A_187 = tpu.vector_load_idx %arg4[%shift_right_arithmetic3A_183, %and3A_186] : memref<128x128xi32, #tpu.memory_space<vmem>>[vector<16xi32>, vector<16xi32>], vector<16xi32>,
      %swap3A_188 = arith.index_cast %add3A_65 : i32 to index
      %swap3A_189 = arith.constant 112 : index
      %swap3A_190 = tpu.vector_load %arg5[%swap3A_188, %swap3A_189] {strides = array<i32>} : memref<128x128xi32, #tpu.memory_space<vmem>>, vector<16xi32>,
      tpu.vector_store %arg5[%swap3A_188, %swap3A_189], %gather3A_187 {strides = array<i32>} : memref<128x128xi32, #tpu.memory_space<vmem>>, vector<16xi32>,
    }
    %scan3A_53 = arith.constant 128 : i32
    %mul3A_54 = arith.constant 128 : i32
    %mul3A_55 = arith.muli %add3A, %mul3A_54 : i32
    "tpu.region"() ({
      %run_scoped3A = tpu.sem_alloc : memref<!tpu.dma_semaphore, #tpu.memory_space<semaphore_mem>>
      %dma_start3A = arith.constant 0 : i32
      %dma_start3A_61 = tpu.memref_slice %arg3[%mul3A_55, %dma_start3A] : memref<6400x128xi32, #tpu.memory_space<hbm>> -> memref<128x128xi32, #tpu.memory_space<hbm>>
      %dma_start3A_62 = arith.constant 0 : i32
      %dma_start3A_63 = tpu.memref_slice %arg3[%mul3A_55, %dma_start3A_62] : memref<6400x128xi32, #tpu.memory_space<hbm>> -> memref<128x128xi32, #tpu.memory_space<hbm>>
      tpu.enqueue_dma source(%arg5 : memref<128x128xi32, #tpu.memory_space<vmem>>) target(%dma_start3A_63 : memref<128x128xi32, #tpu.memory_space<hbm>>) target_semaphore(%run_scoped3A : memref<!tpu.dma_semaphore, #tpu.memory_space<semaphore_mem>>)
      %dma_wait3A = arith.constant 0 : i32
      %dma_wait3A_64 = tpu.memref_slice %arg3[%mul3A_55, %dma_wait3A] : memref<6400x128xi32, #tpu.memory_space<hbm>> -> memref<128x128xi32, #tpu.memory_space<hbm>>
      %dma_wait3A_65 = arith.constant 0 : i32
      %dma_wait3A_66 = tpu.memref_slice %arg3[%mul3A_55, %dma_wait3A_65] : memref<6400x128xi32, #tpu.memory_space<hbm>> -> memref<128x128xi32, #tpu.memory_space<hbm>>
      tpu.wait_dma2 semaphore(%run_scoped3A : memref<!tpu.dma_semaphore, #tpu.memory_space<semaphore_mem>>) src(%arg5 : memref<128x128xi32, #tpu.memory_space<vmem>>) dst(%dma_wait3A_66 : memref<128x128xi32, #tpu.memory_space<hbm>>)
      tpu.yield
    }) : () -> ()
    %add3A_56 = arith.constant 32 : i32
    %add3A_57 = arith.addi %add3A, %add3A_56 : i32
    %lt3A_58 = arith.constant 50 : i32
    %lt3A_59 = arith.cmpi slt, %add3A_57, %lt3A_58 : i32
    %convert_element_type3A = arith.extui %lt3A_59 : i1 to i32
    %cond3A = arith.constant 0 : i32
    %cond3A_60 = arith.cmpi ne, %convert_element_type3A, %cond3A : i32
    scf.if %cond3A_60 {
      %add3A_61 = arith.constant 32 : i32
      %add3A_62 = arith.addi %add3A, %add3A_61 : i32
      %mul3A_63 = arith.constant 128 : i32
      %mul3A_64 = arith.muli %add3A_62, %mul3A_63 : i32
      "tpu.region"() ({
        %run_scoped3A = tpu.sem_alloc : memref<!tpu.dma_semaphore, #tpu.memory_space<semaphore_mem>>
        %dma_start3A = arith.constant 0 : i32
        %dma_start3A_72 = tpu.memref_slice %arg2[%mul3A_64, %dma_start3A] : memref<6400x128xi32, #tpu.memory_space<hbm>> -> memref<128x128xi32, #tpu.memory_space<hbm>>
        %dma_start3A_73 = arith.constant 0 : i32
        %dma_start3A_74 = tpu.memref_slice %arg2[%mul3A_64, %dma_start3A_73] : memref<6400x128xi32, #tpu.memory_space<hbm>> -> memref<128x128xi32, #tpu.memory_space<hbm>>
        tpu.enqueue_dma source(%dma_start3A_74 : memref<128x128xi32, #tpu.memory_space<hbm>>) target(%arg4 : memref<128x128xi32, #tpu.memory_space<vmem>>) target_semaphore(%run_scoped3A : memref<!tpu.dma_semaphore, #tpu.memory_space<semaphore_mem>>)
        %dma_wait3A = arith.constant 0 : i32
        %dma_wait3A_75 = tpu.memref_slice %arg2[%mul3A_64, %dma_wait3A] : memref<6400x128xi32, #tpu.memory_space<hbm>> -> memref<128x128xi32, #tpu.memory_space<hbm>>
        %dma_wait3A_76 = arith.constant 0 : i32
        %dma_wait3A_77 = tpu.memref_slice %arg2[%mul3A_64, %dma_wait3A_76] : memref<6400x128xi32, #tpu.memory_space<hbm>> -> memref<128x128xi32, #tpu.memory_space<hbm>>
        tpu.wait_dma2 semaphore(%run_scoped3A : memref<!tpu.dma_semaphore, #tpu.memory_space<semaphore_mem>>) src(%dma_wait3A_77 : memref<128x128xi32, #tpu.memory_space<hbm>>) dst(%arg4 : memref<128x128xi32, #tpu.memory_space<vmem>>)
        tpu.yield
      }) : () -> ()
      %scan3A_65 = arith.constant 0 : i32
      %scan3A_66 = arith.constant 128 : i32
      %scan3A_67 = arith.addi %scan3A_65, %scan3A_66 : i32
      %scan3A_68 = arith.constant 1 : i32
      scf.for %scan3A_72 = %scan3A_65 to %scan3A_67 step %scan3A_68  : i32 {
        %mul3A_73 = arith.constant 1 : i32
        %mul3A_74 = arith.muli %scan3A_72, %mul3A_73 : i32
        %add3A_75 = arith.constant 0 : i32
        %add3A_76 = arith.addi %add3A_75, %mul3A_74 : i32
        %mul3A_77 = arith.constant 64 : i32
        %mul3A_78 = arith.muli %add3A_76, %mul3A_77 : i32
        %add3A_79 = arith.constant 0 : i32
        %add3A_80 = arith.addi %mul3A_78, %add3A_79 : i32
        %add3A_81 = vector.broadcast %add3A_80 : i32 to vector<16xi32>
        %add3A_82 = arith.addi %add3A_47, %add3A_81 : vector<16xi32>
        %shift_right_arithmetic3A = arith.constant 7 : i32
        %shift_right_arithmetic3A_83 = vector.broadcast %shift_right_arithmetic3A : i32 to vector<16xi32>
        %shift_right_arithmetic3A_84 = arith.shrsi %add3A_82, %shift_right_arithmetic3A_83 : vector<16xi32>
        %and3A_85 = arith.constant 127 : i32
        %and3A_86 = vector.broadcast %and3A_85 : i32 to vector<16xi32>
        %and3A_87 = arith.andi %add3A_82, %and3A_86 : vector<16xi32>
        %gather3A = tpu.vector_load_idx %arg4[%shift_right_arithmetic3A_84, %and3A_87] : memref<128x128xi32, #tpu.memory_space<vmem>>[vector<16xi32>, vector<16xi32>], vector<16xi32>,
        %swap3A = arith.index_cast %add3A_76 : i32 to index
        %swap3A_88 = arith.constant 0 : index
        %swap3A_89 = tpu.vector_load %arg5[%swap3A, %swap3A_88] {strides = array<i32>} : memref<128x128xi32, #tpu.memory_space<vmem>>, vector<16xi32>,
        tpu.vector_store %arg5[%swap3A, %swap3A_88], %gather3A {strides = array<i32>} : memref<128x128xi32, #tpu.memory_space<vmem>>, vector<16xi32>,
        %mul3A_90 = arith.constant 64 : i32
        %mul3A_91 = arith.muli %add3A_76, %mul3A_90 : i32
        %add3A_92 = arith.constant 8 : i32
        %add3A_93 = arith.addi %mul3A_91, %add3A_92 : i32
        %add3A_94 = vector.broadcast %add3A_93 : i32 to vector<16xi32>
        %add3A_95 = arith.addi %add3A_47, %add3A_94 : vector<16xi32>
        %shift_right_arithmetic3A_96 = arith.constant 7 : i32
        %shift_right_arithmetic3A_97 = vector.broadcast %shift_right_arithmetic3A_96 : i32 to vector<16xi32>
        %shift_right_arithmetic3A_98 = arith.shrsi %add3A_95, %shift_right_arithmetic3A_97 : vector<16xi32>
        %and3A_99 = arith.constant 127 : i32
        %and3A_100 = vector.broadcast %and3A_99 : i32 to vector<16xi32>
        %and3A_101 = arith.andi %add3A_95, %and3A_100 : vector<16xi32>
        %gather3A_102 = tpu.vector_load_idx %arg4[%shift_right_arithmetic3A_98, %and3A_101] : memref<128x128xi32, #tpu.memory_space<vmem>>[vector<16xi32>, vector<16xi32>], vector<16xi32>,
        %swap3A_103 = arith.index_cast %add3A_76 : i32 to index
        %swap3A_104 = arith.constant 16 : index
        %swap3A_105 = tpu.vector_load %arg5[%swap3A_103, %swap3A_104] {strides = array<i32>} : memref<128x128xi32, #tpu.memory_space<vmem>>, vector<16xi32>,
        tpu.vector_store %arg5[%swap3A_103, %swap3A_104], %gather3A_102 {strides = array<i32>} : memref<128x128xi32, #tpu.memory_space<vmem>>, vector<16xi32>,
        %mul3A_106 = arith.constant 64 : i32
        %mul3A_107 = arith.muli %add3A_76, %mul3A_106 : i32
        %add3A_108 = arith.constant 16 : i32
        %add3A_109 = arith.addi %mul3A_107, %add3A_108 : i32
        %add3A_110 = vector.broadcast %add3A_109 : i32 to vector<16xi32>
        %add3A_111 = arith.addi %add3A_47, %add3A_110 : vector<16xi32>
        %shift_right_arithmetic3A_112 = arith.constant 7 : i32
        %shift_right_arithmetic3A_113 = vector.broadcast %shift_right_arithmetic3A_112 : i32 to vector<16xi32>
        %shift_right_arithmetic3A_114 = arith.shrsi %add3A_111, %shift_right_arithmetic3A_113 : vector<16xi32>
        %and3A_115 = arith.constant 127 : i32
        %and3A_116 = vector.broadcast %and3A_115 : i32 to vector<16xi32>
        %and3A_117 = arith.andi %add3A_111, %and3A_116 : vector<16xi32>
        %gather3A_118 = tpu.vector_load_idx %arg4[%shift_right_arithmetic3A_114, %and3A_117] : memref<128x128xi32, #tpu.memory_space<vmem>>[vector<16xi32>, vector<16xi32>], vector<16xi32>,
        %swap3A_119 = arith.index_cast %add3A_76 : i32 to index
        %swap3A_120 = arith.constant 32 : index
        %swap3A_121 = tpu.vector_load %arg5[%swap3A_119, %swap3A_120] {strides = array<i32>} : memref<128x128xi32, #tpu.memory_space<vmem>>, vector<16xi32>,
        tpu.vector_store %arg5[%swap3A_119, %swap3A_120], %gather3A_118 {strides = array<i32>} : memref<128x128xi32, #tpu.memory_space<vmem>>, vector<16xi32>,
        %mul3A_122 = arith.constant 64 : i32
        %mul3A_123 = arith.muli %add3A_76, %mul3A_122 : i32
        %add3A_124 = arith.constant 24 : i32
        %add3A_125 = arith.addi %mul3A_123, %add3A_124 : i32
        %add3A_126 = vector.broadcast %add3A_125 : i32 to vector<16xi32>
        %add3A_127 = arith.addi %add3A_47, %add3A_126 : vector<16xi32>
        %shift_right_arithmetic3A_128 = arith.constant 7 : i32
        %shift_right_arithmetic3A_129 = vector.broadcast %shift_right_arithmetic3A_128 : i32 to vector<16xi32>
        %shift_right_arithmetic3A_130 = arith.shrsi %add3A_127, %shift_right_arithmetic3A_129 : vector<16xi32>
        %and3A_131 = arith.constant 127 : i32
        %and3A_132 = vector.broadcast %and3A_131 : i32 to vector<16xi32>
        %and3A_133 = arith.andi %add3A_127, %and3A_132 : vector<16xi32>
        %gather3A_134 = tpu.vector_load_idx %arg4[%shift_right_arithmetic3A_130, %and3A_133] : memref<128x128xi32, #tpu.memory_space<vmem>>[vector<16xi32>, vector<16xi32>], vector<16xi32>,
        %swap3A_135 = arith.index_cast %add3A_76 : i32 to index
        %swap3A_136 = arith.constant 48 : index
        %swap3A_137 = tpu.vector_load %arg5[%swap3A_135, %swap3A_136] {strides = array<i32>} : memref<128x128xi32, #tpu.memory_space<vmem>>, vector<16xi32>,
        tpu.vector_store %arg5[%swap3A_135, %swap3A_136], %gather3A_134 {strides = array<i32>} : memref<128x128xi32, #tpu.memory_space<vmem>>, vector<16xi32>,
        %mul3A_138 = arith.constant 64 : i32
        %mul3A_139 = arith.muli %add3A_76, %mul3A_138 : i32
        %add3A_140 = arith.constant 32 : i32
        %add3A_141 = arith.addi %mul3A_139, %add3A_140 : i32
        %add3A_142 = vector.broadcast %add3A_141 : i32 to vector<16xi32>
        %add3A_143 = arith.addi %add3A_47, %add3A_142 : vector<16xi32>
        %shift_right_arithmetic3A_144 = arith.constant 7 : i32
        %shift_right_arithmetic3A_145 = vector.broadcast %shift_right_arithmetic3A_144 : i32 to vector<16xi32>
        %shift_right_arithmetic3A_146 = arith.shrsi %add3A_143, %shift_right_arithmetic3A_145 : vector<16xi32>
        %and3A_147 = arith.constant 127 : i32
        %and3A_148 = vector.broadcast %and3A_147 : i32 to vector<16xi32>
        %and3A_149 = arith.andi %add3A_143, %and3A_148 : vector<16xi32>
        %gather3A_150 = tpu.vector_load_idx %arg4[%shift_right_arithmetic3A_146, %and3A_149] : memref<128x128xi32, #tpu.memory_space<vmem>>[vector<16xi32>, vector<16xi32>], vector<16xi32>,
        %swap3A_151 = arith.index_cast %add3A_76 : i32 to index
        %swap3A_152 = arith.constant 64 : index
        %swap3A_153 = tpu.vector_load %arg5[%swap3A_151, %swap3A_152] {strides = array<i32>} : memref<128x128xi32, #tpu.memory_space<vmem>>, vector<16xi32>,
        tpu.vector_store %arg5[%swap3A_151, %swap3A_152], %gather3A_150 {strides = array<i32>} : memref<128x128xi32, #tpu.memory_space<vmem>>, vector<16xi32>,
        %mul3A_154 = arith.constant 64 : i32
        %mul3A_155 = arith.muli %add3A_76, %mul3A_154 : i32
        %add3A_156 = arith.constant 40 : i32
        %add3A_157 = arith.addi %mul3A_155, %add3A_156 : i32
        %add3A_158 = vector.broadcast %add3A_157 : i32 to vector<16xi32>
        %add3A_159 = arith.addi %add3A_47, %add3A_158 : vector<16xi32>
        %shift_right_arithmetic3A_160 = arith.constant 7 : i32
        %shift_right_arithmetic3A_161 = vector.broadcast %shift_right_arithmetic3A_160 : i32 to vector<16xi32>
        %shift_right_arithmetic3A_162 = arith.shrsi %add3A_159, %shift_right_arithmetic3A_161 : vector<16xi32>
        %and3A_163 = arith.constant 127 : i32
        %and3A_164 = vector.broadcast %and3A_163 : i32 to vector<16xi32>
        %and3A_165 = arith.andi %add3A_159, %and3A_164 : vector<16xi32>
        %gather3A_166 = tpu.vector_load_idx %arg4[%shift_right_arithmetic3A_162, %and3A_165] : memref<128x128xi32, #tpu.memory_space<vmem>>[vector<16xi32>, vector<16xi32>], vector<16xi32>,
        %swap3A_167 = arith.index_cast %add3A_76 : i32 to index
        %swap3A_168 = arith.constant 80 : index
        %swap3A_169 = tpu.vector_load %arg5[%swap3A_167, %swap3A_168] {strides = array<i32>} : memref<128x128xi32, #tpu.memory_space<vmem>>, vector<16xi32>,
        tpu.vector_store %arg5[%swap3A_167, %swap3A_168], %gather3A_166 {strides = array<i32>} : memref<128x128xi32, #tpu.memory_space<vmem>>, vector<16xi32>,
        %mul3A_170 = arith.constant 64 : i32
        %mul3A_171 = arith.muli %add3A_76, %mul3A_170 : i32
        %add3A_172 = arith.constant 48 : i32
        %add3A_173 = arith.addi %mul3A_171, %add3A_172 : i32
        %add3A_174 = vector.broadcast %add3A_173 : i32 to vector<16xi32>
        %add3A_175 = arith.addi %add3A_47, %add3A_174 : vector<16xi32>
        %shift_right_arithmetic3A_176 = arith.constant 7 : i32
        %shift_right_arithmetic3A_177 = vector.broadcast %shift_right_arithmetic3A_176 : i32 to vector<16xi32>
        %shift_right_arithmetic3A_178 = arith.shrsi %add3A_175, %shift_right_arithmetic3A_177 : vector<16xi32>
        %and3A_179 = arith.constant 127 : i32
        %and3A_180 = vector.broadcast %and3A_179 : i32 to vector<16xi32>
        %and3A_181 = arith.andi %add3A_175, %and3A_180 : vector<16xi32>
        %gather3A_182 = tpu.vector_load_idx %arg4[%shift_right_arithmetic3A_178, %and3A_181] : memref<128x128xi32, #tpu.memory_space<vmem>>[vector<16xi32>, vector<16xi32>], vector<16xi32>,
        %swap3A_183 = arith.index_cast %add3A_76 : i32 to index
        %swap3A_184 = arith.constant 96 : index
        %swap3A_185 = tpu.vector_load %arg5[%swap3A_183, %swap3A_184] {strides = array<i32>} : memref<128x128xi32, #tpu.memory_space<vmem>>, vector<16xi32>,
        tpu.vector_store %arg5[%swap3A_183, %swap3A_184], %gather3A_182 {strides = array<i32>} : memref<128x128xi32, #tpu.memory_space<vmem>>, vector<16xi32>,
        %mul3A_186 = arith.constant 64 : i32
        %mul3A_187 = arith.muli %add3A_76, %mul3A_186 : i32
        %add3A_188 = arith.constant 56 : i32
        %add3A_189 = arith.addi %mul3A_187, %add3A_188 : i32
        %add3A_190 = vector.broadcast %add3A_189 : i32 to vector<16xi32>
        %add3A_191 = arith.addi %add3A_47, %add3A_190 : vector<16xi32>
        %shift_right_arithmetic3A_192 = arith.constant 7 : i32
        %shift_right_arithmetic3A_193 = vector.broadcast %shift_right_arithmetic3A_192 : i32 to vector<16xi32>
        %shift_right_arithmetic3A_194 = arith.shrsi %add3A_191, %shift_right_arithmetic3A_193 : vector<16xi32>
        %and3A_195 = arith.constant 127 : i32
        %and3A_196 = vector.broadcast %and3A_195 : i32 to vector<16xi32>
        %and3A_197 = arith.andi %add3A_191, %and3A_196 : vector<16xi32>
        %gather3A_198 = tpu.vector_load_idx %arg4[%shift_right_arithmetic3A_194, %and3A_197] : memref<128x128xi32, #tpu.memory_space<vmem>>[vector<16xi32>, vector<16xi32>], vector<16xi32>,
        %swap3A_199 = arith.index_cast %add3A_76 : i32 to index
        %swap3A_200 = arith.constant 112 : index
        %swap3A_201 = tpu.vector_load %arg5[%swap3A_199, %swap3A_200] {strides = array<i32>} : memref<128x128xi32, #tpu.memory_space<vmem>>, vector<16xi32>,
        tpu.vector_store %arg5[%swap3A_199, %swap3A_200], %gather3A_198 {strides = array<i32>} : memref<128x128xi32, #tpu.memory_space<vmem>>, vector<16xi32>,
      }
      %scan3A_69 = arith.constant 128 : i32
      %mul3A_70 = arith.constant 128 : i32
      %mul3A_71 = arith.muli %add3A_62, %mul3A_70 : i32
      "tpu.region"() ({
        %run_scoped3A = tpu.sem_alloc : memref<!tpu.dma_semaphore, #tpu.memory_space<semaphore_mem>>
        %dma_start3A = arith.constant 0 : i32
        %dma_start3A_72 = tpu.memref_slice %arg3[%mul3A_71, %dma_start3A] : memref<6400x128xi32, #tpu.memory_space<hbm>> -> memref<128x128xi32, #tpu.memory_space<hbm>>
        %dma_start3A_73 = arith.constant 0 : i32
        %dma_start3A_74 = tpu.memref_slice %arg3[%mul3A_71, %dma_start3A_73] : memref<6400x128xi32, #tpu.memory_space<hbm>> -> memref<128x128xi32, #tpu.memory_space<hbm>>
        tpu.enqueue_dma source(%arg5 : memref<128x128xi32, #tpu.memory_space<vmem>>) target(%dma_start3A_74 : memref<128x128xi32, #tpu.memory_space<hbm>>) target_semaphore(%run_scoped3A : memref<!tpu.dma_semaphore, #tpu.memory_space<semaphore_mem>>)
        %dma_wait3A = arith.constant 0 : i32
        %dma_wait3A_75 = tpu.memref_slice %arg3[%mul3A_71, %dma_wait3A] : memref<6400x128xi32, #tpu.memory_space<hbm>> -> memref<128x128xi32, #tpu.memory_space<hbm>>
        %dma_wait3A_76 = arith.constant 0 : i32
        %dma_wait3A_77 = tpu.memref_slice %arg3[%mul3A_71, %dma_wait3A_76] : memref<6400x128xi32, #tpu.memory_space<hbm>> -> memref<128x128xi32, #tpu.memory_space<hbm>>
        tpu.wait_dma2 semaphore(%run_scoped3A : memref<!tpu.dma_semaphore, #tpu.memory_space<semaphore_mem>>) src(%arg5 : memref<128x128xi32, #tpu.memory_space<vmem>>) dst(%dma_wait3A_77 : memref<128x128xi32, #tpu.memory_space<hbm>>)
        tpu.yield
      }) : () -> ()
    } else {
    }
    return
  }
}

module attributes {stable_mosaic.version = 14 : i64} {
  func.func @body(%arg0: i32, %arg1: memref<8192x128xf32, #tpu.memory_space<vmem>>, %arg2: memref<1x64x16384xf32, #tpu.memory_space<vmem>>) attributes {dimension_semantics = [#tpu.dimension_semantics<parallel>], iteration_bounds = array<i64: 50>, scalar_prefetch = 0 : i64, scratch_operands = 0 : i64, tpu.core_type = #tpu.core_type<tc>, window_params = [{transform_indices = @transform_0, window_bounds = array<i64: 8192, 128>}, {transform_indices = @transform_1, window_bounds = array<i64: 1, 64, 16384>}]} {
    %get3A = arith.constant 0 : index
    %get3A_0 = arith.constant 0 : index
    %get3A_1 = vector.load %arg1[%get3A, %get3A_0] : memref<8192x128xf32, #tpu.memory_space<vmem>>, vector<8192x64xf32>
    %transpose3A = tpu.transpose %get3A_1, [1, 0] : vector<8192x64xf32> -> vector<64x8192xf32>
    %swap3A = arith.constant 0 : index
    %swap3A_2 = arith.constant 0 : index
    %swap3A_3 = arith.constant 0 : index
    %swap3A_4 = vector.load %arg2[%swap3A, %swap3A_2, %swap3A_3] : memref<1x64x16384xf32, #tpu.memory_space<vmem>>, vector<1x64x8192xf32>
    %swap3A_5 = vector.shape_cast %swap3A_4 : vector<1x64x8192xf32> to vector<64x8192xf32>
    %swap3A_6 = vector.shape_cast %transpose3A : vector<64x8192xf32> to vector<1x64x8192xf32>
    tpu.vector_store %arg2[%swap3A, %swap3A_2, %swap3A_3], %swap3A_6 {strides = array<i32>} : memref<1x64x16384xf32, #tpu.memory_space<vmem>>, vector<1x64x8192xf32>,
    %get3A_7 = arith.constant 0 : index
    %get3A_8 = arith.constant 64 : index
    %get3A_9 = vector.load %arg1[%get3A_7, %get3A_8] : memref<8192x128xf32, #tpu.memory_space<vmem>>, vector<8192x64xf32>
    %transpose3A_10 = tpu.transpose %get3A_9, [1, 0] : vector<8192x64xf32> -> vector<64x8192xf32>
    %swap3A_11 = arith.constant 0 : index
    %swap3A_12 = arith.constant 0 : index
    %swap3A_13 = arith.constant 8192 : index
    %swap3A_14 = vector.load %arg2[%swap3A_11, %swap3A_12, %swap3A_13] : memref<1x64x16384xf32, #tpu.memory_space<vmem>>, vector<1x64x8192xf32>
    %swap3A_15 = vector.shape_cast %swap3A_14 : vector<1x64x8192xf32> to vector<64x8192xf32>
    %swap3A_16 = vector.shape_cast %transpose3A_10 : vector<64x8192xf32> to vector<1x64x8192xf32>
    tpu.vector_store %arg2[%swap3A_11, %swap3A_12, %swap3A_13], %swap3A_16 {strides = array<i32>} : memref<1x64x16384xf32, #tpu.memory_space<vmem>>, vector<1x64x8192xf32>,
    return
  }
  func.func @transform_0(%arg0: i32) -> (i32, i32) {
    %c0_i32 = arith.constant 0 : i32
    %c0_i32_0 = arith.constant 0 : i32
    return %arg0, %c0_i32 : i32, i32
  }
  func.func @transform_1(%arg0: i32) -> (i32, i32, i32) {
    %c0_i32 = arith.constant 0 : i32
    %c0_i32_0 = arith.constant 0 : i32
    %c0_i32_1 = arith.constant 0 : i32
    return %arg0, %c0_i32, %c0_i32_0 : i32, i32, i32
  }
}

module attributes {stable_mosaic.version = 14 : i64} {
  func.func @body(%arg0: i32, %arg1: memref<64x25600xf32, #tpu.memory_space<vmem>>, %arg2: memref<12800x128xf32, #tpu.memory_space<vmem>>) attributes {dimension_semantics = [#tpu.dimension_semantics<parallel>], iteration_bounds = array<i64: 40>, scalar_prefetch = 0 : i64, scratch_operands = 0 : i64, tpu.core_type = #tpu.core_type<tc>, window_params = [{transform_indices = @transform_0, window_bounds = array<i64: 64, 25600>}, {transform_indices = @transform_1, window_bounds = array<i64: 12800, 128>}]} {
    %lt3A = arith.constant 39 : i32
    %lt3A_0 = arith.cmpi slt, %arg0, %lt3A : i32
    %convert_element_type3A = arith.extui %lt3A_0 : i1 to i32
    %cond3A = arith.constant 0 : i32
    %cond3A_1 = arith.cmpi ne, %convert_element_type3A, %cond3A : i32
    scf.if %cond3A_1 {
      %get3A = arith.constant 0 : index
      %get3A_6 = arith.constant 0 : index
      %get3A_7 = vector.load %arg1[%get3A, %get3A_6] : memref<64x25600xf32, #tpu.memory_space<vmem>>, vector<64x12800xf32>
      %transpose3A = tpu.transpose %get3A_7, [1, 0] : vector<64x12800xf32> -> vector<12800x64xf32>
      %swap3A = arith.constant 0 : index
      %swap3A_8 = arith.constant 0 : index
      %swap3A_9 = vector.load %arg2[%swap3A, %swap3A_8] : memref<12800x128xf32, #tpu.memory_space<vmem>>, vector<12800x64xf32>
      tpu.vector_store %arg2[%swap3A, %swap3A_8], %transpose3A {strides = array<i32>} : memref<12800x128xf32, #tpu.memory_space<vmem>>, vector<12800x64xf32>,
      %get3A_10 = arith.constant 0 : index
      %get3A_11 = arith.constant 12800 : index
      %get3A_12 = vector.load %arg1[%get3A_10, %get3A_11] : memref<64x25600xf32, #tpu.memory_space<vmem>>, vector<64x12800xf32>
      %transpose3A_13 = tpu.transpose %get3A_12, [1, 0] : vector<64x12800xf32> -> vector<12800x64xf32>
      %swap3A_14 = arith.constant 0 : index
      %swap3A_15 = arith.constant 64 : index
      %swap3A_16 = vector.load %arg2[%swap3A_14, %swap3A_15] : memref<12800x128xf32, #tpu.memory_space<vmem>>, vector<12800x64xf32>
      tpu.vector_store %arg2[%swap3A_14, %swap3A_15], %transpose3A_13 {strides = array<i32>} : memref<12800x128xf32, #tpu.memory_space<vmem>>, vector<12800x64xf32>,
    } else {
    }
    %eq3A = arith.constant 39 : i32
    %eq3A_2 = arith.cmpi eq, %arg0, %eq3A : i32
    %convert_element_type3A_3 = arith.extui %eq3A_2 : i1 to i32
    %cond3A_4 = arith.constant 0 : i32
    %cond3A_5 = arith.cmpi ne, %convert_element_type3A_3, %cond3A_4 : i32
    scf.if %cond3A_5 {
      %get3A = arith.constant 0 : index
      %get3A_6 = arith.constant 0 : index
      %get3A_7 = vector.load %arg1[%get3A, %get3A_6] : memref<64x25600xf32, #tpu.memory_space<vmem>>, vector<64x800xf32>
      %transpose3A = tpu.transpose %get3A_7, [1, 0] : vector<64x800xf32> -> vector<800x64xf32>
      %swap3A = arith.constant 0 : index
      %swap3A_8 = arith.constant 0 : index
      %swap3A_9 = vector.load %arg2[%swap3A, %swap3A_8] : memref<12800x128xf32, #tpu.memory_space<vmem>>, vector<800x64xf32>
      tpu.vector_store %arg2[%swap3A, %swap3A_8], %transpose3A {strides = array<i32>} : memref<12800x128xf32, #tpu.memory_space<vmem>>, vector<800x64xf32>,
      %get3A_10 = arith.constant 0 : index
      %get3A_11 = arith.constant 800 : index
      %get3A_12 = vector.load %arg1[%get3A_10, %get3A_11] : memref<64x25600xf32, #tpu.memory_space<vmem>>, vector<64x800xf32>
      %transpose3A_13 = tpu.transpose %get3A_12, [1, 0] : vector<64x800xf32> -> vector<800x64xf32>
      %swap3A_14 = arith.constant 0 : index
      %swap3A_15 = arith.constant 64 : index
      %swap3A_16 = vector.load %arg2[%swap3A_14, %swap3A_15] : memref<12800x128xf32, #tpu.memory_space<vmem>>, vector<800x64xf32>
      tpu.vector_store %arg2[%swap3A_14, %swap3A_15], %transpose3A_13 {strides = array<i32>} : memref<12800x128xf32, #tpu.memory_space<vmem>>, vector<800x64xf32>,
    } else {
    }
    return
  }
  func.func @transform_0(%arg0: i32) -> (i32, i32) {
    %c0_i32 = arith.constant 0 : i32
    %c0_i32_0 = arith.constant 0 : i32
    return %c0_i32, %arg0 : i32, i32
  }
  func.func @transform_1(%arg0: i32) -> (i32, i32) {
    %c0_i32 = arith.constant 0 : i32
    %c0_i32_0 = arith.constant 0 : i32
    return %arg0, %c0_i32 : i32, i32
  }
}

</mosaic_0001>

<sc_bundles>
// kernel: kernel.6.cloned.1.call-start
scs
__scs_entry_jumppad:
0x0: {  	(pc) =	sbr.rel $0x88, $3  }
0x1: {  	(tag) =	ssettag $0x0;
	lr =	simm.s32 $0x1  }
0x2: {  	[smem:$0x3F9F] =	sst lr;
	_ =	strace $0xD0000000  }
0x3: {  	_ = 	snop  }
0x4: {  	_ = 	snop  }
0x5: {  	_ = 	snop  }
0x6: {  	_ = 	snop  }
0x7: {  	_ = 	snop  }
__scs_overlays_trampoline_lowered:
0x8: {  	[smem:$0x3FAE] =	sst s0  }
0x9: {  	[smem:$0x3FAF] =	sst s1  }
0xa: {  	[smem:$0x3FB0] =	sst s2  }
0xb: {  	[smem:$0x3FB1] =	sst s3  }
0xc: {  	[smem:$0x3FB2] =	sst s4  }
0xd: {  	[smem:$0x3FB3] =	sst s5  }
0xe: {  	[smem:$0x3FB4] =	sst s6  }
0xf: {  	[smem:$0x3FB5] =	sst s7  }
0x10: {  	[smem:$0x3FB6] =	sst s8  }
0x11: {  	[smem:$0x3FB7] =	sst s9;
	s0 =	simm.s32 @!p0 $0x0  }
0x12: {  	s1 =	sld [smem:$0x3F9D];
	s0 =	simm.s32 @p0 $0x1  }
0x13: {  	[smem:$0x3FB8] =	sst s0;
	s0 =	simm.s32 @!p1 $0x0  }
0x14: {  	s2 =	sld [smem:$0x3F9C];
	s0 =	simm.s32 @p1 $0x1  }
0x15: {  	[smem:$0x3FB9] =	sst s0;
	s0 =	simm.s32 @!p2 $0x0  }
0x16: {  	s3 =	sld [smem:$0x3FDB];
	s0 =	simm.s32 @p2 $0x1  }
0x17: {  	s4 =	simm.s32 $0x1BF5;
	[smem:$0x3FBB] =	sst s0  }
0x18: {  	s0 =	sld [smem:$0x3F9E];
	_ =	swait.ge [sflag:s4], $0x0  }
0x19: {  	s7 =	sld [smem:$0x3F9F]  }
0x1a: {  	s8 =	sadd.s32 $0xFFFFE003, lr  }
0x1b: {  	s9 =	sadd.s32 $0xFFFFFEF7, lr;
	s5 =	simm.s32 $0xFFFFFFFF;
	p2 =	slt.u32 s8, $0xFFFFF086  }
0x1c: {  	p1 =	slt.u32 s9, $0xF7A;
	s5 =	simm.s32 @!p2 $0x0  }
0x1d: {  	s5 =	simm.s32 @p1 $0x1;
	p0 =	seq.s32 s7, s2  }
0x1e: {  	s7 =	smul.u32 @!p0 $0xF7A, s2;
	p2 =	seq.s32 @!p0 s5, $0x0  }
0x1f: {  	s9 =	smul.u32 $0xF7A, s1;
	s8 =	simm.s32 @!p0 $0x1BF5;
	p2 =	por !p2, p0  }
0x20: {  	[sflag:s8] =	ssyncset.s32 @!p0 $0xFFFFF086;
	s6 =	sadd.s32 @!p0 s3, s7;
	s7 =	simm.s32 @!p0 $0x108  }
0x21: {  	s3 =	sadd.s32 s3, s9;
	s6 =	sadd.s32 @!p0 $0x88, s6;
	s7 =	simm.s32 @p2 $0x1082  }
0x22: {  	[simem:s7], [sflag:s8] =	dma.local @!p0 [hbm:s6], $0xF7A  }
0x23: {  	s9 =	sor.u32 $0xD0000000, s2;
	s6 =	simm.s32 $0x108;
	_ =	swait.ge @!p0 [sflag:s8], $0x0  }
0x24: {  	s3 =	sadd.s32 $0x88, s3;
	s6 =	simm.s32 @!p1 $0x1082;
	[sflag:s4] =	ssyncset.s32 $0xFFFFF086  }
0x25: {  	[simem:s6], [sflag:s4] =	dma.local [hbm:s3], $0xF7A  }
0x26: {  	[smem:$0x3F9F] =	sst s1;
	(tag) =	ssettag s2;
	_ =	strace s9  }
0x27: {  	s1 =	sld [smem:$0x3FAF]  }
0x28: {  	s2 =	sld [smem:$0x3FB0]  }
0x29: {  	s4 =	sld [smem:$0x3FB2]  }
0x2a: {  	p0 =	seq.s32 s5, $0x0;
	s5 =	sld [smem:$0x3FB3]  }
0x2b: {  	s6 =	sld [smem:$0x3FB4]  }
0x2c: {  	s7 =	sld [smem:$0x3FB5]  }
0x2d: {  	s3 =	simm.s32 $0x108;
	s8 =	sld [smem:$0x3FB6]  }
0x2e: {  	s3 =	simm.s32 @!p0 $0x1082;
	s9 =	sld [smem:$0x3FB7]  }
0x2f: {  	lr =	sadd.s32 s0, s3;
	s0 =	sld [smem:$0x3FAE]  }
0x30: {  	s3 =	sld [smem:$0x3FB1]  }
0x31: {  	[smem:$0x3FBA] =	sst s10  }
0x32: {  	s10 =	sld [smem:$0x3FB8];
	_ =	sdelay $0x3  }
0x33: {  	p0 =	seq.s32 s10, $0x1;
	s10 =	sld [smem:$0x3FBA];
	_ =	sdelay $0x3  }
0x34: {  	[smem:$0x3FBA] =	sst s10  }
0x35: {  	s10 =	sld [smem:$0x3FB9];
	_ =	sdelay $0x3  }
0x36: {  	p1 =	seq.s32 s10, $0x1;
	s10 =	sld [smem:$0x3FBA];
	_ =	sdelay $0x3  }
0x37: {  	[smem:$0x3FBA] =	sst s10  }
0x38: {  	s10 =	sld [smem:$0x3FBB]  }
0x39: {  	_ = 	snop;
	(pc) =	sbr.ind lr, $3  }
0x3a: {  	_ = 	snop  }
0x3b: {  	_ = 	snop  }
0x3c: {  	p2 =	seq.s32 s10, $0x1;
	s10 =	sld [smem:$0x3FBA]  }
0x3d: {  	_ =	shalt  }
0x3e: {  	_ =	shalt  }
0x3f: {  	_ =	shalt  }
0x40: {  	_ =	shalt  }
0x41: {  	_ =	shalt  }
0x42: {  	_ =	shalt  }
0x43: {  	_ =	shalt  }
0x44: {  	_ =	shalt  }
0x45: {  	_ =	shalt  }
0x46: {  	_ =	shalt  }
0x47: {  	_ =	shalt  }
0x48: {  	_ =	shalt  }
0x49: {  	_ =	shalt  }
0x4a: {  	_ =	shalt  }
0x4b: {  	_ =	shalt  }
0x4c: {  	_ =	shalt  }
0x4d: {  	_ =	shalt  }
0x4e: {  	_ =	shalt  }
0x4f: {  	_ =	shalt  }
0x50: {  	_ =	shalt  }
0x51: {  	_ =	shalt  }
0x52: {  	_ =	shalt  }
0x53: {  	_ =	shalt  }
0x54: {  	_ =	shalt  }
0x55: {  	_ =	shalt  }
0x56: {  	_ =	shalt  }
0x57: {  	_ =	shalt  }
0x58: {  	_ =	shalt  }
0x59: {  	_ =	shalt  }
0x5a: {  	_ =	shalt  }
0x5b: {  	_ =	shalt  }
0x5c: {  	_ =	shalt  }
0x5d: {  	_ =	shalt  }
0x5e: {  	_ =	shalt  }
0x5f: {  	_ =	shalt  }
0x60: {  	_ =	shalt  }
0x61: {  	_ =	shalt  }
0x62: {  	_ =	shalt  }
0x63: {  	_ =	shalt  }
0x64: {  	_ =	shalt  }
0x65: {  	_ =	shalt  }
0x66: {  	_ =	shalt  }
0x67: {  	_ =	shalt  }
0x68: {  	_ =	shalt  }
0x69: {  	_ =	shalt  }
0x6a: {  	_ =	shalt  }
0x6b: {  	_ =	shalt  }
0x6c: {  	_ =	shalt  }
0x6d: {  	_ =	shalt  }
0x6e: {  	_ =	shalt  }
0x6f: {  	_ =	shalt  }
0x70: {  	_ =	shalt  }
0x71: {  	_ =	shalt  }
0x72: {  	_ =	shalt  }
0x73: {  	_ =	shalt  }
0x74: {  	_ =	shalt  }
0x75: {  	_ =	shalt  }
0x76: {  	_ =	shalt  }
0x77: {  	_ =	shalt  }
0x78: {  	_ =	shalt  }
0x79: {  	_ =	shalt  }
0x7a: {  	_ =	shalt  }
0x7b: {  	_ =	shalt  }
0x7c: {  	_ =	shalt  }
0x7d: {  	_ =	shalt  }
0x7e: {  	_ =	shalt  }
0x7f: {  	_ =	shalt  }
0x80: {  	_ =	shalt  }
0x81: {  	_ =	shalt  }
0x82: {  	_ =	shalt  }
0x83: {  	_ =	shalt  }
0x84: {  	_ =	shalt  }
0x85: {  	_ =	shalt  }
0x86: {  	_ =	shalt  }
0x87: {  	_ =	shalt  }
.Lfunc_end0:
.L_simem_size_0:
called_computation_lowered:
.L_overlay_start_0:
0x88: {  	s2 =	sld [smem:$0x3FD9]  }
0x89: {  	s3 =	sld [smem:$0x3FFE];
	_ =	sdelay $0x1  }
0x8a: {  	s1 =	srdreg.scid  }
0x8b: {  	s0 =	sand.u32 $0x1, s1  }
0x8c: {  	s17 =	sshll.u32 s0, $0xA;
	s2 =	sadd.s32 s3, s2  }
0x8d: {  	s2 =	sadd.s32 s2, s17  }
0x8e: {  	[smem:$0x3FC6] =	sst s2  }
0x8f: {  	_ = 	snop  }
0x90: {  	s2 =	sld [smem:$0x3FD0];
	(tm) =	ssettm $0x1  }
0x91: {  	s18 =	sld [smem:$0x3FFB];
	_ =	sdelay $0x3  }
0x92: {  	_ =	strace s18  }
0x93: {  	s3 =	sld [smem:$0x3FFC];
	_ =	sdelay $0x3  }
0x94: {  	_ =	strace s3  }
0x95: {  	s3 =	sld [smem:$0x3FFD];
	_ =	sdelay $0x3  }
0x96: {  	_ =	strace s3  }
0x97: {  	_ =	strace $0x8FFFFFFF  }
0x98: {  	s19 =	sld [smem:$0x3FDB];
	_ =	sdelay $0x1  }
0x99: {  	s4 =	simm.s32 $_scs_section_size  }
0x9a: {  	s5 =	simm.s32 $_size__tile_overlayer_lowered;
	s6 =	simm.s32 $_tile_overlayer_lowered  }
0x9b: {  	s22 =	simm.s32 $0x1BFF;
	s21 =	sshll.u32 s6, $0x1;
	s3 =	sadd.s32 s4, s19  }
0x9c: {  	s7 =	simm.s32 $0x0;
	s20 =	sshll.u32 s5, $0x1;
	s5 =	sadd.s32 s21, s3  }
0x9d: {  	[timem:s7], [sflag:s22] =	dma.local [hbm:s5], s20  }
0x9e: {  	_ =	swait.ge [sflag:s22], s20  }
0x9f: {  	s4 =	ssub.s32 $0x0, s20;
	[sflag:s22] =	ssyncset.done $0x0  }
0xa0: {  	[sflag:s22] =	ssyncadd.s32 s4;
	_ =	sdelay $0x1  }
0xa1: {  	s23 =	simm.s32 $0x1B8B  }
0xa2: {  	_ =	swait.ge [sflag:s23], $0x1  }
0xa3: {  	[sflag:s23] =	ssyncset.done $0x0  }
0xa4: {  	s25 =	simm.s32 $0x1B8E;
	s24 =	sld [smem:$0x3FFE];
	[sflag:s23] =	ssyncadd.s32 $0xFFFFFFFF  }
0xa5: {  	s26 =	simm.s32 $execute0_lowered;
	[smem:$0x3FD2] =	sst s25  }
0xa6: {  	s5 =	sshll.u32 s26, $0x1;
	_ =	strace $0x80000046;
	[dreg:$0x1] =	wrdreg $0xFFFFFFFF  }
0xa7: {  	s28 =	simm.s32 $_size_execute0_lowered;
	s3 =	sadd.s32 s3, s5;
	[dreg:$0x0] =	wrdreg $0x0  }
0xa8: {  	s5 =	sshll.u32 s28, $0x1;
	[dreg:$0x2] =	wrdreg s3  }
0xa9: {  	[dreg:$0x3] =	wrdreg s5  }
0xaa: {  	[dreg:$0x4] =	wrdreg $0xC0  }
0xab: {  	_ =	task [dreg:s7], $0x5FFFF  }
0xac: {  	[dreg:$0x1] =	wrdreg $0xFFFFFFFF  }
0xad: {  	[dreg:$0x0] =	wrdreg $0x60  }
0xae: {  	[dreg:$0x2] =	wrdreg s2  }
0xaf: {  	[dreg:$0x3] =	wrdreg s24  }
0xb0: {  	[dreg:$0x4] =	wrdreg $0x9  }
0xb1: {  	_ =	task.clear_ibuf [dreg:s7], $0x5FFFF;
	_ =	strace $0x90000046  }
0xb2: {  	s29 =	simm.s32 $0x9;
	_ =	strace $0x80000048  }
0xb3: {  	_ =	swait.ge [sflag:s29], $0x1  }
0xb4: {  	[sflag:s29] =	ssyncadd.s32 $0xFFFFFFFF  }
0xb5: {  	_ =	strace $0x90000048  }
0xb6: {  	_ =	sfence  }
0xb7: {  	s30 =	sld [smem:$0x0];
	_ =	sdelay $0x2  }
0xb8: {  	s31 =	sshll.u32 s1, $0xD;
	s1 =	sshrl.u32 s1, $0x2  }
0xb9: {  	s3 =	sand.u32 $0x4000, s31;
	s1 =	sadd.s32 s1, s30  }
0xba: {  	s0 =	sor.u32 s3, s0;
	s1 =	sshll.u32 s1, $0x11  }
0xbb: {  	s0 =	sor.u32 s1, s0  }
0xbc: {  	s0 =	sadd.s32 $0x8F2B, s0  }
0xbd: {  	[sflag:s0] =	ssyncadd.remote.s32 $0x1  }
0xbe: {  	_ =	sfence.sel $0xFFFF  }
0xbf: {  	[dreg:$0x0] =	wrdreg $0xFFFFFFFF;
	(pc) =	sbr.abs _section_cstart, $3  }
0xc0: {  	[dreg:$0x1] =	wrdreg $0xFFFFFFFF  }
0xc1: {  	_ =	task.clear_ibuf [dreg:s7], $0x2FFFF;
	_ =	strace $0x9FFFFFFF  }
0xc2: {  	(tm) =	ssettm $0x7FFFFFFF  }
0xc3: {  	_ =	shalt  }
tec
execute0_lowered:
.L_overlay_start_1:
0x0: {  	(tag) =	ssettag $0x1  }
0x1: {  	v0 =	vimm.s32 $0x2007;
	vm0 =	vcmask $0x300  }
0x2: {  	vm14 =	vcmask $0x704;
	v0 =	vsel vm0, $0x0, v0  }
0x3: {  	vm15 =	vcmask $0xB08;
	v0 =	vsel vm14, $0x2000, v0  }
0x4: {  	vm4 =	vcmask $0xF0C;
	v0 =	vsel vm15, $0x1, v0  }
0x5: {  	vm5 =	vcmask $0x1310;
	v0 =	vsel vm4, $0x2001, v0  }
0x6: {  	vm6 =	vcmask $0x1714;
	s5 =	rddreg [dreg:$0x0];
	v0 =	vsel vm5, $0x2, v0  }
0x7: {  	vm7 =	vcmask $0x1B18;
	s3 =	rddreg [dreg:$0x1];
	v0 =	vsel vm6, $0x2002, v0  }
0x8: {  	vm8 =	vcmask $0x1F1C;
	s0 =	rddreg [dreg:$0x2];
	v0 =	vsel vm7, $0x3, v0  }
0x9: {  	s1 =	simm.s32 $0x0;
	s4 =	srdreg.scid;
	vm9 =	vcmask $0x2320;
	s2 =	stileid.u32;
	v0 =	vsel vm8, $0x2003, v0  }
0xa: {  	vm10 =	vcmask $0x2724;
	s9 =	simm.s32 $0x4000;
	s10 =	simm.s32 $0x0;
	[smem:$0x7FF] =	sst s1;
	v0 =	vsel vm9, $0x4, v0  }
0xb: {  	vm11 =	vcmask $0x2B28;
	s4 =	sand.u32 $0x1, s4;
	s7 =	sshll.u32 s2, $0xC;
	s30 =	sadd.s32 $0x800, s3;
	v0 =	vsel vm10, $0x2004, v0  }
.Ltmp0:
0xc: {  	vm12 =	vcmask $0x2F2C;
	s6 =	ssub.s32 $0x2, s4;
	s4 =	sshll.u32 s4, $0xB;
	v0 =	vsel vm11, $0x5, v0;
	(pc) =	sbr.rel .LBB2_1-.Ltmp0, $4  }
0xd: {  	vm13 =	vcmask $0x3330;
	p0 =	sgt.u32 s2, $0x8;
	s8 =	sshrl.u32 s6, $0x1;
	s4 =	sor.u32 s4, s7;
	v0 =	vsel vm12, $0x2005, v0  }
0xe: {  	_ =	strace $0x80000047;
	vm14 =	vcmask $0x3734;
	s8 =	ssub.s32 s6, s8;
	s31 =	sor.u32 $0x10000, s4;
	v0 =	vsel vm13, $0x6, v0  }
0xf: {  	vm15 =	vcmask $0x3B38;
	s3 =	sadd.s32 s5, s4;
	s4 =	sadd.s32 s30, s4;
	s5 =	sadd.s32 s5, s31;
	v0 =	vsel vm14, $0x2006, v0  }
0x10: {  	s6 =	sadd.s32 s30, s31;
	s7 =	smax.u32 s8, $0x1;
	s8 =	simm.s32 $0x1;
	v0 =	vsel vm15, $0x7, v0  }
.LBB2_6:
0x11: {  	v2 =	vor.u32 s14, v0;
	_ =	sdelay $0x3  }
0x12: {  	[tilespmem:s11+$0x30] =	vst v1  }
0x13: {  	s13 =	sadd.s32 $0xFFFFFFD0, s12;
	v1 =	vld.idx.msk [tilespmem:v2+s1+$0x0], $0xffff  }
0x14: {  	v2 =	vor.u32 s13, v0;
	_ =	sdelay $0x2  }
0x15: {  	s25 =	sadd.s32 $0x80, s11  }
0x16: {  	[tilespmem:s25+$0xFFFFFFC0] =	vst v1  }
0x17: {  	s26 =	sadd.s32 $0xFFFFFFD8, s12;
	v1 =	vld.idx.msk [tilespmem:v2+s1+$0x0], $0xffff  }
0x18: {  	v2 =	vor.u32 s26, v0;
	_ =	sdelay $0x3  }
0x19: {  	[tilespmem:s25+$0xFFFFFFD0] =	vst v1  }
0x1a: {  	s28 =	sadd.s32 $0xFFFFFFE0, s12;
	v1 =	vld.idx.msk [tilespmem:v2+s1+$0x0], $0xffff  }
0x1b: {  	v2 =	vor.u32 s28, v0;
	_ =	sdelay $0x3  }
0x1c: {  	[tilespmem:s25+$0xFFFFFFE0] =	vst v1  }
0x1d: {  	s29 =	sadd.s32 $0xFFFFFFE8, s12;
	v1 =	vld.idx.msk [tilespmem:v2+s1+$0x0], $0xffff  }
0x1e: {  	v2 =	vor.u32 s29, v0;
	_ =	sdelay $0x3  }
0x1f: {  	[tilespmem:s25+$0xFFFFFFF0] =	vst v1  }
0x20: {  	s30 =	sadd.s32 $0xFFFFFFF0, s12;
	v1 =	vld.idx.msk [tilespmem:v2+s1+$0x0], $0xffff  }
0x21: {  	v2 =	vor.u32 s30, v0;
	_ =	sdelay $0x3  }
0x22: {  	[tilespmem:s25+$0x0] =	vst v1  }
0x23: {  	s31 =	sadd.s32 $0xFFFFFFF8, s12;
	v1 =	vld.idx.msk [tilespmem:v2+s1+$0x0], $0xffff  }
0x24: {  	v2 =	vor.u32 s31, v0;
	_ =	sdelay $0x3  }
0x25: {  	[tilespmem:s25+$0x10] =	vst v1  }
0x26: {  	v1 =	vld.idx.msk [tilespmem:v2+s1+$0x0], $0xffff  }
0x27: {  	v2 =	vor.u32 s12, v0;
	_ =	sdelay $0x3  }
0x28: {  	[tilespmem:s25+$0x20] =	vst v1  }
0x29: {  	v1 =	vld.idx.msk [tilespmem:v2+s1+$0x0], $0xffff;
	_ =	sdelay $0x4  }
0x2a: {  	[tilespmem:s25+$0x30] =	vst v1  }
0x2b: {  	[hbm4b:s6+s1] =	stream.linear.scatter [tilespmem:s9], [sflag:$0x1], $0x4000, $0x38;
	[tilespmem:$0x8000] =	vst v63  }
0x2c: {  	_ =	swait.ge [sflag:s8], $0x4000  }
0x2d: {  	[sflag:s8] =	ssyncset.done $0x0  }
0x2e: {  	[sflag:s8] =	ssyncadd.s32 $0xFFFFC000  }
.LBB2_7:
0x2f: {  	s10 =	sadd.s32 $0x1, s10  }
0x30: {  	p1 =	sne.s32 s10, s7  }
.Ltmp1:
0x31: {  	_ = 	snop;
	(pc) =	sbr.rel @!p1 .LBB2_8-.Ltmp1, $1  }
0x32: {  	_ =	sdelay $0x3  }
.LBB2_1:
0x33: {  	s11 =	simm.s32 $0x0  }
0x34: {  	v1 =	vor.u32 s11, v0  }
0x35: {  	[tilespmem:s1], [sflag:$0x1] =	stream.linear.gather [hbm4b:s3+s1], $0x4000, $0x38;
	[tilespmem:$0x8000] =	vst v63  }
0x36: {  	_ =	swait.ge [sflag:s8], $0x4000  }
0x37: {  	[sflag:s8] =	ssyncset.done $0x0  }
0x38: {  	[sflag:s8] =	ssyncadd.s32 $0xFFFFC000  }
0x39: {  	s25 =	simm.s32 $0x8;
	v1 =	vld.idx.msk [tilespmem:v1+s1+$0x0], $0xffff  }
0x3a: {  	v2 =	vor.u32 s25, v0;
	_ =	sdelay $0x2  }
0x3b: {  	s11 =	simm.s32 $0x4040  }
0x3c: {  	[tilespmem:s11+$0xFFFFFFC0] =	vst v1  }
0x3d: {  	s12 =	simm.s32 $0x10;
	v1 =	vld.idx.msk [tilespmem:v2+s1+$0x0], $0xffff  }
0x3e: {  	v2 =	vor.u32 s12, v0;
	_ =	sdelay $0x3  }
0x3f: {  	[tilespmem:s11+$0xFFFFFFD0] =	vst v1  }
0x40: {  	s26 =	simm.s32 $0x18;
	v1 =	vld.idx.msk [tilespmem:v2+s1+$0x0], $0xffff  }
0x41: {  	v2 =	vor.u32 s26, v0;
	_ =	sdelay $0x3  }
0x42: {  	[tilespmem:s11+$0xFFFFFFE0] =	vst v1  }
0x43: {  	s28 =	simm.s32 $0x20;
	v1 =	vld.idx.msk [tilespmem:v2+s1+$0x0], $0xffff  }
0x44: {  	v2 =	vor.u32 s28, v0;
	_ =	sdelay $0x3  }
0x45: {  	[tilespmem:s11+$0xFFFFFFF0] =	vst v1  }
0x46: {  	s29 =	simm.s32 $0x28;
	v1 =	vld.idx.msk [tilespmem:v2+s1+$0x0], $0xffff  }
0x47: {  	v2 =	vor.u32 s29, v0;
	_ =	sdelay $0x3  }
0x48: {  	[tilespmem:s11+$0x0] =	vst v1  }
0x49: {  	s30 =	simm.s32 $0x30;
	v1 =	vld.idx.msk [tilespmem:v2+s1+$0x0], $0xffff  }
0x4a: {  	v2 =	vor.u32 s30, v0;
	_ =	sdelay $0x3  }
0x4b: {  	[tilespmem:s11+$0x10] =	vst v1  }
0x4c: {  	s31 =	simm.s32 $0x38;
	v1 =	vld.idx.msk [tilespmem:v2+s1+$0x0], $0xffff  }
0x4d: {  	v2 =	vor.u32 s31, v0;
	_ =	sdelay $0x3  }
0x4e: {  	[tilespmem:s11+$0x20] =	vst v1  }
0x4f: {  	s14 =	simm.s32 $0x40;
	s13 =	simm.s32 $0xB8;
	s12 =	simm.s32 $0x78;
	v1 =	vld.idx.msk [tilespmem:v2+s1+$0x0], $0xffff  }
.LBB2_2:
0x50: {  	p1 =	sne.s32 s13, $0x1FF8;
	v2 =	vor.u32 s14, v0;
	_ =	sdelay $0x3  }
0x51: {  	[tilespmem:s11+$0x30] =	vst v1  }
0x52: {  	v1 =	vld.idx.msk [tilespmem:v2+s1+$0x0], $0xffff  }
0x53: {  	s14 =	sadd.s32 $0xFFFFFFD0, s12  }
0x54: {  	v2 =	vor.u32 s14, v0;
	_ =	sdelay $0x2  }
0x55: {  	s11 =	sadd.s32 $0x80, s11  }
0x56: {  	[tilespmem:s11+$0xFFFFFFC0] =	vst v1  }
0x57: {  	v1 =	vld.idx.msk [tilespmem:v2+s1+$0x0], $0xffff  }
0x58: {  	s14 =	sadd.s32 $0xFFFFFFD8, s12  }
0x59: {  	v2 =	vor.u32 s14, v0;
	_ =	sdelay $0x3  }
0x5a: {  	[tilespmem:s11+$0xFFFFFFD0] =	vst v1  }
0x5b: {  	v1 =	vld.idx.msk [tilespmem:v2+s1+$0x0], $0xffff  }
0x5c: {  	s14 =	sadd.s32 $0xFFFFFFE0, s12  }
0x5d: {  	v2 =	vor.u32 s14, v0;
	_ =	sdelay $0x3  }
0x5e: {  	[tilespmem:s11+$0xFFFFFFE0] =	vst v1  }
0x5f: {  	v1 =	vld.idx.msk [tilespmem:v2+s1+$0x0], $0xffff  }
0x60: {  	s14 =	sadd.s32 $0xFFFFFFE8, s12  }
0x61: {  	v2 =	vor.u32 s14, v0;
	_ =	sdelay $0x3  }
0x62: {  	[tilespmem:s11+$0xFFFFFFF0] =	vst v1  }
0x63: {  	v1 =	vld.idx.msk [tilespmem:v2+s1+$0x0], $0xffff  }
0x64: {  	s14 =	sadd.s32 $0xFFFFFFF0, s12  }
0x65: {  	v2 =	vor.u32 s14, v0;
	_ =	sdelay $0x3  }
0x66: {  	[tilespmem:s11+$0x0] =	vst v1  }
0x67: {  	v1 =	vld.idx.msk [tilespmem:v2+s1+$0x0], $0xffff  }
0x68: {  	s14 =	sadd.s32 $0xFFFFFFF8, s12  }
0x69: {  	v2 =	vor.u32 s14, v0;
	_ =	sdelay $0x3  }
0x6a: {  	[tilespmem:s11+$0x10] =	vst v1  }
0x6b: {  	v1 =	vld.idx.msk [tilespmem:v2+s1+$0x0], $0xffff;
	_ =	sdelay $0x1  }
0x6c: {  	v2 =	vor.u32 s12, v0;
	s12 =	smov.u32 s13;
	_ =	sdelay $0x1  }
.Ltmp2:
0x6d: {  	(pc) =	sbr.rel @p1 .LBB2_2-.Ltmp2, $4  }
0x6e: {  	_ = 	snop  }
0x6f: {  	[tilespmem:s11+$0x20] =	vst v1  }
0x70: {  	v1 =	vld.idx.msk [tilespmem:v2+s1+$0x0], $0xffff  }
0x71: {  	s13 =	sadd.s32 $0x40, s13;
	s14 =	sadd.s32 $0xFFFFFFC8, s12  }
0x72: {  	v2 =	vor.u32 s14, v0;
	_ =	sdelay $0x3  }
0x73: {  	[tilespmem:s11+$0x30] =	vst v1  }
0x74: {  	s13 =	sadd.s32 $0xFFFFFFD0, s12;
	v1 =	vld.idx.msk [tilespmem:v2+s1+$0x0], $0xffff  }
0x75: {  	v2 =	vor.u32 s13, v0;
	_ =	sdelay $0x2  }
0x76: {  	s25 =	sadd.s32 $0x80, s11  }
0x77: {  	[tilespmem:s25+$0xFFFFFFC0] =	vst v1  }
0x78: {  	s26 =	sadd.s32 $0xFFFFFFD8, s12;
	v1 =	vld.idx.msk [tilespmem:v2+s1+$0x0], $0xffff  }
0x79: {  	v2 =	vor.u32 s26, v0;
	_ =	sdelay $0x3  }
0x7a: {  	[tilespmem:s25+$0xFFFFFFD0] =	vst v1  }
0x7b: {  	s28 =	sadd.s32 $0xFFFFFFE0, s12;
	v1 =	vld.idx.msk [tilespmem:v2+s1+$0x0], $0xffff  }
0x7c: {  	v2 =	vor.u32 s28, v0;
	_ =	sdelay $0x3  }
0x7d: {  	[tilespmem:s25+$0xFFFFFFE0] =	vst v1  }
0x7e: {  	s29 =	sadd.s32 $0xFFFFFFE8, s12;
	v1 =	vld.idx.msk [tilespmem:v2+s1+$0x0], $0xffff  }
0x7f: {  	v2 =	vor.u32 s29, v0;
	_ =	sdelay $0x3  }
0x80: {  	[tilespmem:s25+$0xFFFFFFF0] =	vst v1  }
0x81: {  	s30 =	sadd.s32 $0xFFFFFFF0, s12;
	v1 =	vld.idx.msk [tilespmem:v2+s1+$0x0], $0xffff  }
0x82: {  	v2 =	vor.u32 s30, v0;
	_ =	sdelay $0x3  }
0x83: {  	[tilespmem:s25+$0x0] =	vst v1  }
0x84: {  	s31 =	sadd.s32 $0xFFFFFFF8, s12;
	v1 =	vld.idx.msk [tilespmem:v2+s1+$0x0], $0xffff  }
0x85: {  	v2 =	vor.u32 s31, v0;
	_ =	sdelay $0x3  }
0x86: {  	[tilespmem:s25+$0x10] =	vst v1  }
0x87: {  	v1 =	vld.idx.msk [tilespmem:v2+s1+$0x0], $0xffff  }
0x88: {  	v2 =	vor.u32 s12, v0;
	_ =	sdelay $0x3  }
0x89: {  	[tilespmem:s25+$0x20] =	vst v1  }
0x8a: {  	v1 =	vld.idx.msk [tilespmem:v2+s1+$0x0], $0xffff;
	_ =	sdelay $0x4  }
.Ltmp3:
0x8b: {  	[tilespmem:s25+$0x30] =	vst v1;
	(pc) =	sbr.rel @p0 .LBB2_7-.Ltmp3, $4  }
0x8c: {  	[hbm4b:s4+s1] =	stream.linear.scatter [tilespmem:s9], [sflag:$0x1], $0x4000, $0x38;
	[tilespmem:$0x8000] =	vst v63  }
0x8d: {  	_ =	swait.ge [sflag:s8], $0x4000  }
0x8e: {  	[sflag:s8] =	ssyncset.done $0x0  }
0x8f: {  	[sflag:s8] =	ssyncadd.s32 $0xFFFFC000  }
0x90: {  	s11 =	simm.s32 $0x0  }
0x91: {  	v1 =	vor.u32 s11, v0  }
0x92: {  	[tilespmem:s1], [sflag:$0x1] =	stream.linear.gather [hbm4b:s5+s1], $0x4000, $0x38;
	[tilespmem:$0x8000] =	vst v63  }
0x93: {  	_ =	swait.ge [sflag:s8], $0x4000  }
0x94: {  	[sflag:s8] =	ssyncset.done $0x0  }
0x95: {  	[sflag:s8] =	ssyncadd.s32 $0xFFFFC000  }
0x96: {  	s25 =	simm.s32 $0x8;
	v1 =	vld.idx.msk [tilespmem:v1+s1+$0x0], $0xffff  }
0x97: {  	v2 =	vor.u32 s25, v0;
	_ =	sdelay $0x2  }
0x98: {  	s11 =	simm.s32 $0x4040  }
0x99: {  	[tilespmem:s11+$0xFFFFFFC0] =	vst v1  }
0x9a: {  	s12 =	simm.s32 $0x10;
	v1 =	vld.idx.msk [tilespmem:v2+s1+$0x0], $0xffff  }
0x9b: {  	v2 =	vor.u32 s12, v0;
	_ =	sdelay $0x3  }
0x9c: {  	[tilespmem:s11+$0xFFFFFFD0] =	vst v1  }
0x9d: {  	s26 =	simm.s32 $0x18;
	v1 =	vld.idx.msk [tilespmem:v2+s1+$0x0], $0xffff  }
0x9e: {  	v2 =	vor.u32 s26, v0;
	_ =	sdelay $0x3  }
0x9f: {  	[tilespmem:s11+$0xFFFFFFE0] =	vst v1  }
0xa0: {  	s28 =	simm.s32 $0x20;
	v1 =	vld.idx.msk [tilespmem:v2+s1+$0x0], $0xffff  }
0xa1: {  	v2 =	vor.u32 s28, v0;
	_ =	sdelay $0x3  }
0xa2: {  	[tilespmem:s11+$0xFFFFFFF0] =	vst v1  }
0xa3: {  	s29 =	simm.s32 $0x28;
	v1 =	vld.idx.msk [tilespmem:v2+s1+$0x0], $0xffff  }
0xa4: {  	v2 =	vor.u32 s29, v0;
	_ =	sdelay $0x3  }
0xa5: {  	[tilespmem:s11+$0x0] =	vst v1  }
0xa6: {  	s30 =	simm.s32 $0x30;
	v1 =	vld.idx.msk [tilespmem:v2+s1+$0x0], $0xffff  }
0xa7: {  	v2 =	vor.u32 s30, v0;
	_ =	sdelay $0x3  }
0xa8: {  	[tilespmem:s11+$0x10] =	vst v1  }
0xa9: {  	s31 =	simm.s32 $0x38;
	v1 =	vld.idx.msk [tilespmem:v2+s1+$0x0], $0xffff  }
0xaa: {  	v2 =	vor.u32 s31, v0;
	_ =	sdelay $0x3  }
0xab: {  	[tilespmem:s11+$0x20] =	vst v1  }
0xac: {  	s14 =	simm.s32 $0x40;
	s13 =	simm.s32 $0xB8;
	s12 =	simm.s32 $0x78;
	v1 =	vld.idx.msk [tilespmem:v2+s1+$0x0], $0xffff  }
.LBB2_5:
0xad: {  	p1 =	sne.s32 s13, $0x1FF8;
	v2 =	vor.u32 s14, v0;
	_ =	sdelay $0x3  }
0xae: {  	[tilespmem:s11+$0x30] =	vst v1  }
0xaf: {  	v1 =	vld.idx.msk [tilespmem:v2+s1+$0x0], $0xffff  }
0xb0: {  	s14 =	sadd.s32 $0xFFFFFFD0, s12  }
0xb1: {  	v2 =	vor.u32 s14, v0;
	_ =	sdelay $0x2  }
0xb2: {  	s11 =	sadd.s32 $0x80, s11  }
0xb3: {  	[tilespmem:s11+$0xFFFFFFC0] =	vst v1  }
0xb4: {  	v1 =	vld.idx.msk [tilespmem:v2+s1+$0x0], $0xffff  }
0xb5: {  	s14 =	sadd.s32 $0xFFFFFFD8, s12  }
0xb6: {  	v2 =	vor.u32 s14, v0;
	_ =	sdelay $0x3  }
0xb7: {  	[tilespmem:s11+$0xFFFFFFD0] =	vst v1  }
0xb8: {  	v1 =	vld.idx.msk [tilespmem:v2+s1+$0x0], $0xffff  }
0xb9: {  	s14 =	sadd.s32 $0xFFFFFFE0, s12  }
0xba: {  	v2 =	vor.u32 s14, v0;
	_ =	sdelay $0x3  }
0xbb: {  	[tilespmem:s11+$0xFFFFFFE0] =	vst v1  }
0xbc: {  	v1 =	vld.idx.msk [tilespmem:v2+s1+$0x0], $0xffff  }
0xbd: {  	s14 =	sadd.s32 $0xFFFFFFE8, s12  }
0xbe: {  	v2 =	vor.u32 s14, v0;
	_ =	sdelay $0x3  }
0xbf: {  	[tilespmem:s11+$0xFFFFFFF0] =	vst v1  }
0xc0: {  	v1 =	vld.idx.msk [tilespmem:v2+s1+$0x0], $0xffff  }
0xc1: {  	s14 =	sadd.s32 $0xFFFFFFF0, s12  }
0xc2: {  	v2 =	vor.u32 s14, v0;
	_ =	sdelay $0x3  }
0xc3: {  	[tilespmem:s11+$0x0] =	vst v1  }
0xc4: {  	v1 =	vld.idx.msk [tilespmem:v2+s1+$0x0], $0xffff  }
0xc5: {  	s14 =	sadd.s32 $0xFFFFFFF8, s12  }
0xc6: {  	v2 =	vor.u32 s14, v0;
	_ =	sdelay $0x3  }
0xc7: {  	[tilespmem:s11+$0x10] =	vst v1  }
0xc8: {  	v1 =	vld.idx.msk [tilespmem:v2+s1+$0x0], $0xffff;
	_ =	sdelay $0x1  }
0xc9: {  	v2 =	vor.u32 s12, v0;
	s12 =	smov.u32 s13;
	_ =	sdelay $0x1  }
.Ltmp4:
0xca: {  	(pc) =	sbr.rel @p1 .LBB2_5-.Ltmp4, $4  }
0xcb: {  	_ = 	snop  }
0xcc: {  	[tilespmem:s11+$0x20] =	vst v1  }
0xcd: {  	v1 =	vld.idx.msk [tilespmem:v2+s1+$0x0], $0xffff  }
0xce: {  	s13 =	sadd.s32 $0x40, s13;
	s14 =	sadd.s32 $0xFFFFFFC8, s12  }
.Ltmp5:
0xcf: {  	_ = 	snop;
	(pc) =	sbr.rel .LBB2_6-.Ltmp5, $1  }
0xd0: {  	_ =	sdelay $0x3  }
.LBB2_8:
0xd1: {  	_ =	sfence.sel $0x180000  }
0xd2: {  	[bflag:$0x0] =	sbarrier.arrive $0xFFFF  }
0xd3: {  	p0 =	sne.s32 s2, $0x0;
	_ =	strace $0x90000047  }
0xd4: {  	s0 =	sadd.s32 @!p0 $0x100000, s0;
	[bflag:$0x2] =	sbarrier.arrive $0xFFFF  }
0xd5: {  	[sflag:s0] =	ssyncadd.tile.s32 @!p0 $0x1;
	_ =	shalt  }
.Lfunc_end2:
_tile_overlayer_lowered:
.L_overlay_start_2:
0xd6: {  	(tag) =	ssettag $0x2  }
0xd7: {  	s0 =	rddreg [dreg:$0x0];
	s2 =	stileid.u32  }
0xd8: {  	s1 =	rddreg [dreg:$0x1];
	p0 =	sne.s32 s2, $0x0  }
0xd9: {  	s3 =	rddreg [dreg:$0x2];
	[bflag:$0x3] =	sbarrier.arrive $0xFFFF;
	s2 =	simm.s32 @!p0 $0x1C01  }
0xda: {  	[timem:s3], [sflag:s2] =	dma.local @!p0 [hbm:s0], s1  }
0xdb: {  	s0 =	simm.s32 @!p0 $0x1  }
0xdc: {  	_ =	swait.ge @!p0 [sflag:s0], s1  }
0xdd: {  	s1 =	ssub.s32 @!p0 $0x0, s1;
	[sflag:s0] =	ssyncset.done @!p0 $0x0  }
0xde: {  	[sflag:s0] =	ssyncadd.s32 @!p0 s1  }
0xdf: {  	[bflag:$0x3] =	sbarrier.arrive $0xFFFF  }
0xe0: {  	_ =	shalt  }

// kernel: kernel.9.cloned.1.call-start
scs
__scs_entry_jumppad:
0x0: {  	(pc) =	sbr.rel $0x88, $3  }
0x1: {  	(tag) =	ssettag $0x0;
	lr =	simm.s32 $0x1  }
0x2: {  	[smem:$0x3F9F] =	sst lr;
	_ =	strace $0xD0000000  }
0x3: {  	_ = 	snop  }
0x4: {  	_ = 	snop  }
0x5: {  	_ = 	snop  }
0x6: {  	_ = 	snop  }
0x7: {  	_ = 	snop  }
__scs_overlays_trampoline_lowered:
0x8: {  	[smem:$0x3FAE] =	sst s0  }
0x9: {  	[smem:$0x3FAF] =	sst s1  }
0xa: {  	[smem:$0x3FB0] =	sst s2  }
0xb: {  	[smem:$0x3FB1] =	sst s3  }
0xc: {  	[smem:$0x3FB2] =	sst s4  }
0xd: {  	[smem:$0x3FB3] =	sst s5  }
0xe: {  	[smem:$0x3FB4] =	sst s6  }
0xf: {  	[smem:$0x3FB5] =	sst s7  }
0x10: {  	[smem:$0x3FB6] =	sst s8  }
0x11: {  	[smem:$0x3FB7] =	sst s9;
	s0 =	simm.s32 @!p0 $0x0  }
0x12: {  	s1 =	sld [smem:$0x3F9D];
	s0 =	simm.s32 @p0 $0x1  }
0x13: {  	[smem:$0x3FB8] =	sst s0;
	s0 =	simm.s32 @!p1 $0x0  }
0x14: {  	s2 =	sld [smem:$0x3F9C];
	s0 =	simm.s32 @p1 $0x1  }
0x15: {  	[smem:$0x3FB9] =	sst s0;
	s0 =	simm.s32 @!p2 $0x0  }
0x16: {  	s3 =	sld [smem:$0x3FDB];
	s0 =	simm.s32 @p2 $0x1  }
0x17: {  	s4 =	simm.s32 $0x1BF5;
	[smem:$0x3FBB] =	sst s0  }
0x18: {  	s0 =	sld [smem:$0x3F9E];
	_ =	swait.ge [sflag:s4], $0x0  }
0x19: {  	s7 =	sld [smem:$0x3F9F]  }
0x1a: {  	s8 =	sadd.s32 $0xFFFFE003, lr  }
0x1b: {  	s9 =	sadd.s32 $0xFFFFFEF7, lr;
	s5 =	simm.s32 $0xFFFFFFFF;
	p2 =	slt.u32 s8, $0xFFFFF086  }
0x1c: {  	p1 =	slt.u32 s9, $0xF7A;
	s5 =	simm.s32 @!p2 $0x0  }
0x1d: {  	s5 =	simm.s32 @p1 $0x1;
	p0 =	seq.s32 s7, s2  }
0x1e: {  	s7 =	smul.u32 @!p0 $0xF7A, s2;
	p2 =	seq.s32 @!p0 s5, $0x0  }
0x1f: {  	s9 =	smul.u32 $0xF7A, s1;
	s8 =	simm.s32 @!p0 $0x1BF5;
	p2 =	por !p2, p0  }
0x20: {  	[sflag:s8] =	ssyncset.s32 @!p0 $0xFFFFF086;
	s6 =	sadd.s32 @!p0 s3, s7;
	s7 =	simm.s32 @!p0 $0x108  }
0x21: {  	s3 =	sadd.s32 s3, s9;
	s6 =	sadd.s32 @!p0 $0x88, s6;
	s7 =	simm.s32 @p2 $0x1082  }
0x22: {  	[simem:s7], [sflag:s8] =	dma.local @!p0 [hbm:s6], $0xF7A  }
0x23: {  	s9 =	sor.u32 $0xD0000000, s2;
	s6 =	simm.s32 $0x108;
	_ =	swait.ge @!p0 [sflag:s8], $0x0  }
0x24: {  	s3 =	sadd.s32 $0x88, s3;
	s6 =	simm.s32 @!p1 $0x1082;
	[sflag:s4] =	ssyncset.s32 $0xFFFFF086  }
0x25: {  	[simem:s6], [sflag:s4] =	dma.local [hbm:s3], $0xF7A  }
0x26: {  	[smem:$0x3F9F] =	sst s1;
	(tag) =	ssettag s2;
	_ =	strace s9  }
0x27: {  	s1 =	sld [smem:$0x3FAF]  }
0x28: {  	s2 =	sld [smem:$0x3FB0]  }
0x29: {  	s4 =	sld [smem:$0x3FB2]  }
0x2a: {  	p0 =	seq.s32 s5, $0x0;
	s5 =	sld [smem:$0x3FB3]  }
0x2b: {  	s6 =	sld [smem:$0x3FB4]  }
0x2c: {  	s7 =	sld [smem:$0x3FB5]  }
0x2d: {  	s3 =	simm.s32 $0x108;
	s8 =	sld [smem:$0x3FB6]  }
0x2e: {  	s3 =	simm.s32 @!p0 $0x1082;
	s9 =	sld [smem:$0x3FB7]  }
0x2f: {  	lr =	sadd.s32 s0, s3;
	s0 =	sld [smem:$0x3FAE]  }
0x30: {  	s3 =	sld [smem:$0x3FB1]  }
0x31: {  	[smem:$0x3FBA] =	sst s10  }
0x32: {  	s10 =	sld [smem:$0x3FB8];
	_ =	sdelay $0x3  }
0x33: {  	p0 =	seq.s32 s10, $0x1;
	s10 =	sld [smem:$0x3FBA];
	_ =	sdelay $0x3  }
0x34: {  	[smem:$0x3FBA] =	sst s10  }
0x35: {  	s10 =	sld [smem:$0x3FB9];
	_ =	sdelay $0x3  }
0x36: {  	p1 =	seq.s32 s10, $0x1;
	s10 =	sld [smem:$0x3FBA];
	_ =	sdelay $0x3  }
0x37: {  	[smem:$0x3FBA] =	sst s10  }
0x38: {  	s10 =	sld [smem:$0x3FBB]  }
0x39: {  	_ = 	snop;
	(pc) =	sbr.ind lr, $3  }
0x3a: {  	_ = 	snop  }
0x3b: {  	_ = 	snop  }
0x3c: {  	p2 =	seq.s32 s10, $0x1;
	s10 =	sld [smem:$0x3FBA]  }
0x3d: {  	_ =	shalt  }
0x3e: {  	_ =	shalt  }
0x3f: {  	_ =	shalt  }
0x40: {  	_ =	shalt  }
0x41: {  	_ =	shalt  }
0x42: {  	_ =	shalt  }
0x43: {  	_ =	shalt  }
0x44: {  	_ =	shalt  }
0x45: {  	_ =	shalt  }
0x46: {  	_ =	shalt  }
0x47: {  	_ =	shalt  }
0x48: {  	_ =	shalt  }
0x49: {  	_ =	shalt  }
0x4a: {  	_ =	shalt  }
0x4b: {  	_ =	shalt  }
0x4c: {  	_ =	shalt  }
0x4d: {  	_ =	shalt  }
0x4e: {  	_ =	shalt  }
0x4f: {  	_ =	shalt  }
0x50: {  	_ =	shalt  }
0x51: {  	_ =	shalt  }
0x52: {  	_ =	shalt  }
0x53: {  	_ =	shalt  }
0x54: {  	_ =	shalt  }
0x55: {  	_ =	shalt  }
0x56: {  	_ =	shalt  }
0x57: {  	_ =	shalt  }
0x58: {  	_ =	shalt  }
0x59: {  	_ =	shalt  }
0x5a: {  	_ =	shalt  }
0x5b: {  	_ =	shalt  }
0x5c: {  	_ =	shalt  }
0x5d: {  	_ =	shalt  }
0x5e: {  	_ =	shalt  }
0x5f: {  	_ =	shalt  }
0x60: {  	_ =	shalt  }
0x61: {  	_ =	shalt  }
0x62: {  	_ =	shalt  }
0x63: {  	_ =	shalt  }
0x64: {  	_ =	shalt  }
0x65: {  	_ =	shalt  }
0x66: {  	_ =	shalt  }
0x67: {  	_ =	shalt  }
0x68: {  	_ =	shalt  }
0x69: {  	_ =	shalt  }
0x6a: {  	_ =	shalt  }
0x6b: {  	_ =	shalt  }
0x6c: {  	_ =	shalt  }
0x6d: {  	_ =	shalt  }
0x6e: {  	_ =	shalt  }
0x6f: {  	_ =	shalt  }
0x70: {  	_ =	shalt  }
0x71: {  	_ =	shalt  }
0x72: {  	_ =	shalt  }
0x73: {  	_ =	shalt  }
0x74: {  	_ =	shalt  }
0x75: {  	_ =	shalt  }
0x76: {  	_ =	shalt  }
0x77: {  	_ =	shalt  }
0x78: {  	_ =	shalt  }
0x79: {  	_ =	shalt  }
0x7a: {  	_ =	shalt  }
0x7b: {  	_ =	shalt  }
0x7c: {  	_ =	shalt  }
0x7d: {  	_ =	shalt  }
0x7e: {  	_ =	shalt  }
0x7f: {  	_ =	shalt  }
0x80: {  	_ =	shalt  }
0x81: {  	_ =	shalt  }
0x82: {  	_ =	shalt  }
0x83: {  	_ =	shalt  }
0x84: {  	_ =	shalt  }
0x85: {  	_ =	shalt  }
0x86: {  	_ =	shalt  }
0x87: {  	_ =	shalt  }
.Lfunc_end0:
.L_simem_size_0:
called_computation.1_lowered:
.L_overlay_start_0:
0x88: {  	s2 =	sld [smem:$0x3FD9]  }
0x89: {  	s3 =	sld [smem:$0x3FFE];
	_ =	sdelay $0x1  }
0x8a: {  	s1 =	srdreg.scid  }
0x8b: {  	s0 =	sand.u32 $0x1, s1  }
0x8c: {  	s16 =	sshll.u32 s0, $0xA;
	s2 =	sadd.s32 s3, s2  }
0x8d: {  	s2 =	sadd.s32 s2, s16  }
0x8e: {  	[smem:$0x3FC6] =	sst s2  }
0x8f: {  	_ = 	snop  }
0x90: {  	(tm) =	ssettm $0x1  }
0x91: {  	s17 =	sld [smem:$0x3FFB];
	_ =	sdelay $0x3  }
0x92: {  	_ =	strace s17  }
0x93: {  	s2 =	sld [smem:$0x3FFC];
	_ =	sdelay $0x3  }
0x94: {  	_ =	strace s2  }
0x95: {  	s2 =	sld [smem:$0x3FFD];
	_ =	sdelay $0x3  }
0x96: {  	_ =	strace s2  }
0x97: {  	_ =	strace $0x8FFFFFFF  }
0x98: {  	s18 =	sld [smem:$0x3FDB];
	_ =	sdelay $0x1  }
0x99: {  	s19 =	simm.s32 $_scs_section_size  }
0x9a: {  	s4 =	simm.s32 $_size__tile_overlayer_lowered;
	s5 =	simm.s32 $_tile_overlayer_lowered  }
0x9b: {  	s22 =	simm.s32 $0x1BFF;
	s21 =	sshll.u32 s5, $0x1;
	s2 =	sadd.s32 s19, s18  }
0x9c: {  	s6 =	simm.s32 $0x0;
	s20 =	sshll.u32 s4, $0x1;
	s4 =	sadd.s32 s21, s2  }
0x9d: {  	[timem:s6], [sflag:s22] =	dma.local [hbm:s4], s20  }
0x9e: {  	_ =	swait.ge [sflag:s22], s20  }
0x9f: {  	s3 =	ssub.s32 $0x0, s20;
	[sflag:s22] =	ssyncset.done $0x0  }
0xa0: {  	[sflag:s22] =	ssyncadd.s32 s3;
	_ =	sdelay $0x1  }
0xa1: {  	s23 =	simm.s32 $0x1B8B  }
0xa2: {  	_ =	swait.ge [sflag:s23], $0x1  }
0xa3: {  	[sflag:s23] =	ssyncset.done $0x0  }
0xa4: {  	s25 =	simm.s32 $0x1B8E;
	s24 =	sld [smem:$0x3FFE];
	[sflag:s23] =	ssyncadd.s32 $0xFFFFFFFF  }
0xa5: {  	s26 =	simm.s32 $execute0_lowered;
	[smem:$0x3FD2] =	sst s25  }
0xa6: {  	s4 =	sshll.u32 s26, $0x1;
	_ =	strace $0x80000049;
	[dreg:$0x1] =	wrdreg $0xFFFFFFFF  }
0xa7: {  	s28 =	simm.s32 $_size_execute0_lowered;
	s2 =	sadd.s32 s2, s4;
	[dreg:$0x0] =	wrdreg $0x0  }
0xa8: {  	s4 =	sshll.u32 s28, $0x1;
	[dreg:$0x2] =	wrdreg s2  }
0xa9: {  	[dreg:$0x3] =	wrdreg s4  }
0xaa: {  	[dreg:$0x4] =	wrdreg $0xC0  }
0xab: {  	_ =	task [dreg:s6], $0x5FFFF  }
0xac: {  	[dreg:$0x1] =	wrdreg $0xFFFFFFFF  }
0xad: {  	[dreg:$0x0] =	wrdreg $0x60  }
0xae: {  	[dreg:$0x2] =	wrdreg s24  }
0xaf: {  	[dreg:$0x3] =	wrdreg $0x9  }
0xb0: {  	_ =	task.clear_ibuf [dreg:s6], $0x4FFFF;
	_ =	strace $0x90000049  }
0xb1: {  	s29 =	simm.s32 $0x9;
	_ =	strace $0x8000004B  }
0xb2: {  	_ =	swait.ge [sflag:s29], $0x1  }
0xb3: {  	[sflag:s29] =	ssyncadd.s32 $0xFFFFFFFF  }
0xb4: {  	_ =	strace $0x9000004B  }
0xb5: {  	_ =	sfence  }
0xb6: {  	s30 =	sld [smem:$0x0];
	_ =	sdelay $0x2  }
0xb7: {  	s31 =	sshll.u32 s1, $0xD;
	s1 =	sshrl.u32 s1, $0x2  }
0xb8: {  	s3 =	sand.u32 $0x4000, s31;
	s1 =	sadd.s32 s1, s30  }
0xb9: {  	s0 =	sor.u32 s3, s0;
	s1 =	sshll.u32 s1, $0x11  }
0xba: {  	s0 =	sor.u32 s1, s0  }
0xbb: {  	s0 =	sadd.s32 $0x8F2B, s0  }
0xbc: {  	[sflag:s0] =	ssyncadd.remote.s32 $0x1  }
0xbd: {  	_ =	sfence.sel $0xFFFF  }
0xbe: {  	[dreg:$0x0] =	wrdreg $0xFFFFFFFF;
	(pc) =	sbr.abs _section_cstart, $3  }
0xbf: {  	[dreg:$0x1] =	wrdreg $0xFFFFFFFF  }
0xc0: {  	_ =	task.clear_ibuf [dreg:s6], $0x2FFFF;
	_ =	strace $0x9FFFFFFF  }
0xc1: {  	(tm) =	ssettm $0x7FFFFFFF  }
tec
execute0_lowered:
.L_overlay_start_1:
0x0: {  	(tag) =	ssettag $0x1  }
0x1: {  	s0 =	srdreg.scid  }
0x2: {  	s8 =	stileid.u32;
	s1 =	rddreg [dreg:$0x0];
	s2 =	simm.s32 $0x0  }
0x3: {  	s11 =	simm.s32 $0x9;
	s12 =	simm.s32 $0x80;
	s13 =	simm.s32 $0x6400  }
0x4: {  	s14 =	simm.s32 $0x8400;
	s16 =	simm.s32 $0xA400;
	s18 =	simm.s32 $0xC400  }
0x5: {  	s20 =	simm.s32 $0xE400;
	s22 =	simm.s32 $0x10400;
	s24 =	simm.s32 $0x12400  }
0x6: {  	s28 =	simm.s32 $0x1;
	s29 =	simm.s32 $0x2;
	s30 =	simm.s32 $0x3  }
0x7: {  	s31 =	simm.s32 $0x4;
	s15 =	simm.s32 $0x7;
	s17 =	simm.s32 $0x8  }
0x8: {  	s19 =	simm.s32 $0x0;
	s0 =	sand.u32 $0x1, s0;
	s3 =	sshll.u32 s8, $0x1  }
0x9: {  	[smem:$0x7FF] =	sst s2;
	s8 =	smul.u32 $0x64000, s8;
	s4 =	sor.u32 s0, s3  }
0xa: {  	_ =	strace $0x8000004A;
	s6 =	ssub.s32 $0x2, s0;
	s5 =	smul.u32 $0xC80, s4  }
0xb: {  	s3 =	sadd.s32 $0x19800, s1;
	s0 =	smul.u32 $0x32000, s0;
	s7 =	sshrl.u32 s6, $0x1  }
0xc: {  	s4 =	smul.u32 $0x32000, s4;
	s9 =	ssub.s32 s6, s7;
	s5 =	sadd.s32 s5, s1  }
0xd: {  	s1 =	sadd.s32 $0x7BAA00, s1;
	s9 =	smax.u32 s9, $0x1;
	s5 =	sadd.s32 $0x800, s5  }
0xe: {  	s4 =	sadd.s32 s1, s4;
	s1 =	sadd.s32 s8, s1;
	[dreg:$0x2] =	wrdreg s5  }
0xf: {  	s26 =	sadd.s32 $0x800, s4;
	s7 =	sadd.s32 $0x1000, s4;
	s8 =	sadd.s32 $0x1800, s4  }
0x10: {  	s0 =	sadd.s32 s0, s1;
	s1 =	simm.s32 $0x5;
	[dreg:$0x3] =	wrdreg s26  }
0x11: {  	s25 =	sadd.s32 $0x3800, s0;
	s26 =	simm.s32 $0x14400;
	s0 =	simm.s32 $0x6  }
.LBB2_1:
0x12: {  	s5 =	rddreg [dreg:$0x2]  }
0x13: {  	[tilespmem:s2], [sflag:$0x9] =	stream.linear.gather [hbm4b:s5+s2], $0x6400, $0x38;
	[tilespmem:$0x16400] =	vst v63  }
0x14: {  	_ =	swait.ge [sflag:s11], $0x6400  }
0x15: {  	[sflag:s11] =	ssyncset.done $0x0  }
0x16: {  	[sflag:s11] =	ssyncadd.s32 $0xFFFF9C00  }
0x17: {  	[tilespmem:s13], [sflag:$0x1] =	stream.indirect.gather [hbm4b:s3+s12], $0x40, s2, s12, $0xb8;
	[tilespmem:$0x16400] =	vst v63  }
0x18: {  	_ = 	snop  }
0x19: {  	[tilespmem:s14], [sflag:$0x1] =	stream.indirect.gather [hbm4b:s3+s12], $0x40, s12, s12, $0xb8;
	[tilespmem:$0x16400] =	vst v63  }
0x1a: {  	s23 =	simm.s32 $0x100  }
0x1b: {  	[tilespmem:s16], [sflag:$0x2] =	stream.indirect.gather [hbm4b:s3+s12], $0x40, s23, s12, $0xb8;
	[tilespmem:$0x16400] =	vst v63  }
0x1c: {  	s6 =	simm.s32 $0x180  }
0x1d: {  	[tilespmem:s18], [sflag:$0x2] =	stream.indirect.gather [hbm4b:s3+s12], $0x40, s6, s12, $0xb8;
	[tilespmem:$0x16400] =	vst v63  }
0x1e: {  	s10 =	simm.s32 $0x200  }
0x1f: {  	[tilespmem:s20], [sflag:$0x3] =	stream.indirect.gather [hbm4b:s3+s12], $0x40, s10, s12, $0xb8;
	[tilespmem:$0x16400] =	vst v63  }
0x20: {  	s21 =	simm.s32 $0x280  }
0x21: {  	[tilespmem:s22], [sflag:$0x3] =	stream.indirect.gather [hbm4b:s3+s12], $0x40, s21, s12, $0xb8;
	[tilespmem:$0x16400] =	vst v63  }
0x22: {  	s23 =	simm.s32 $0x300  }
0x23: {  	[tilespmem:s24], [sflag:$0x4] =	stream.indirect.gather [hbm4b:s3+s12], $0x40, s23, s12, $0xb8;
	[tilespmem:$0x16400] =	vst v63  }
0x24: {  	s6 =	simm.s32 $0x380  }
0x25: {  	[tilespmem:s26], [sflag:$0x4] =	stream.indirect.gather [hbm4b:s3+s12], $0x40, s6, s12, $0xb8;
	[tilespmem:$0x16400] =	vst v63  }
0x26: {  	_ =	swait.ge [sflag:s28], $0x2000  }
0x27: {  	[sflag:s28] =	ssyncset.done $0x0  }
0x28: {  	[sflag:s28] =	ssyncadd.s32 $0xFFFFE000  }
0x29: {  	_ =	swait.ge [sflag:s28], $0x2000  }
0x2a: {  	[sflag:s28] =	ssyncset.done $0x0  }
0x2b: {  	[sflag:s28] =	ssyncadd.s32 $0xFFFFE000  }
0x2c: {  	[hbm4b:s4+s2] =	stream.linear.scatter [tilespmem:s13], [sflag:$0x5], $0x4000, $0x38;
	[tilespmem:$0x16400] =	vst v63  }
0x2d: {  	_ =	swait.ge [sflag:s29], $0x2000  }
0x2e: {  	[sflag:s29] =	ssyncset.done $0x0  }
0x2f: {  	[sflag:s29] =	ssyncadd.s32 $0xFFFFE000  }
0x30: {  	_ =	swait.ge [sflag:s29], $0x2000  }
0x31: {  	[sflag:s29] =	ssyncset.done $0x0  }
0x32: {  	s10 =	rddreg [dreg:$0x3];
	[sflag:s29] =	ssyncadd.s32 $0xFFFFE000  }
0x33: {  	[hbm4b:s10+s2] =	stream.linear.scatter [tilespmem:s16], [sflag:$0x6], $0x4000, $0x38;
	[tilespmem:$0x16400] =	vst v63  }
0x34: {  	_ =	swait.ge [sflag:s30], $0x2000  }
0x35: {  	[sflag:s30] =	ssyncset.done $0x0  }
0x36: {  	[sflag:s30] =	ssyncadd.s32 $0xFFFFE000  }
0x37: {  	_ =	swait.ge [sflag:s30], $0x2000  }
0x38: {  	[sflag:s30] =	ssyncset.done $0x0  }
0x39: {  	[sflag:s30] =	ssyncadd.s32 $0xFFFFE000  }
0x3a: {  	[hbm4b:s7+s2] =	stream.linear.scatter [tilespmem:s20], [sflag:$0x7], $0x4000, $0x38;
	[tilespmem:$0x16400] =	vst v63  }
0x3b: {  	_ =	swait.ge [sflag:s31], $0x2000  }
0x3c: {  	[sflag:s31] =	ssyncset.done $0x0  }
0x3d: {  	[sflag:s31] =	ssyncadd.s32 $0xFFFFE000  }
0x3e: {  	_ =	swait.ge [sflag:s31], $0x2000  }
0x3f: {  	[sflag:s31] =	ssyncset.done $0x0  }
0x40: {  	[sflag:s31] =	ssyncadd.s32 $0xFFFFE000  }
0x41: {  	[hbm4b:s8+s2] =	stream.linear.scatter [tilespmem:s24], [sflag:$0x8], $0x4000, $0x38;
	[tilespmem:$0x16400] =	vst v63  }
0x42: {  	_ =	swait.ge [sflag:s1], $0x4000  }
0x43: {  	[sflag:s1] =	ssyncset.done $0x0  }
0x44: {  	s10 =	simm.s32 $0x400;
	[sflag:s1] =	ssyncadd.s32 $0xFFFFC000  }
0x45: {  	[tilespmem:s13], [sflag:$0x1] =	stream.indirect.gather [hbm4b:s3+s12], $0x40, s10, s12, $0xb8;
	[tilespmem:$0x16400] =	vst v63  }
0x46: {  	s21 =	simm.s32 $0x480  }
0x47: {  	[tilespmem:s14], [sflag:$0x1] =	stream.indirect.gather [hbm4b:s3+s12], $0x40, s21, s12, $0xb8;
	[tilespmem:$0x16400] =	vst v63  }
0x48: {  	_ =	swait.ge [sflag:s0], $0x4000  }
0x49: {  	[sflag:s0] =	ssyncset.done $0x0  }
0x4a: {  	s23 =	simm.s32 $0x500;
	[sflag:s0] =	ssyncadd.s32 $0xFFFFC000  }
0x4b: {  	[tilespmem:s16], [sflag:$0x2] =	stream.indirect.gather [hbm4b:s3+s12], $0x40, s23, s12, $0xb8;
	[tilespmem:$0x16400] =	vst v63  }
0x4c: {  	s5 =	simm.s32 $0x580  }
0x4d: {  	[tilespmem:s18], [sflag:$0x2] =	stream.indirect.gather [hbm4b:s3+s12], $0x40, s5, s12, $0xb8;
	[tilespmem:$0x16400] =	vst v63  }
0x4e: {  	_ =	swait.ge [sflag:s15], $0x4000  }
0x4f: {  	[sflag:s15] =	ssyncset.done $0x0  }
0x50: {  	s6 =	simm.s32 $0x600;
	[sflag:s15] =	ssyncadd.s32 $0xFFFFC000  }
0x51: {  	[tilespmem:s20], [sflag:$0x3] =	stream.indirect.gather [hbm4b:s3+s12], $0x40, s6, s12, $0xb8;
	[tilespmem:$0x16400] =	vst v63  }
0x52: {  	s21 =	simm.s32 $0x680  }
0x53: {  	[tilespmem:s22], [sflag:$0x3] =	stream.indirect.gather [hbm4b:s3+s12], $0x40, s21, s12, $0xb8;
	[tilespmem:$0x16400] =	vst v63  }
0x54: {  	_ =	swait.ge [sflag:s17], $0x4000  }
0x55: {  	[sflag:s17] =	ssyncset.done $0x0  }
0x56: {  	s23 =	simm.s32 $0x700;
	[sflag:s17] =	ssyncadd.s32 $0xFFFFC000  }
0x57: {  	[tilespmem:s24], [sflag:$0x4] =	stream.indirect.gather [hbm4b:s3+s12], $0x40, s23, s12, $0xb8;
	[tilespmem:$0x16400] =	vst v63  }
0x58: {  	s5 =	simm.s32 $0x780  }
0x59: {  	[tilespmem:s26], [sflag:$0x4] =	stream.indirect.gather [hbm4b:s3+s12], $0x40, s5, s12, $0xb8;
	[tilespmem:$0x16400] =	vst v63  }
0x5a: {  	_ =	swait.ge [sflag:s28], $0x2000  }
0x5b: {  	[sflag:s28] =	ssyncset.done $0x0  }
0x5c: {  	[sflag:s28] =	ssyncadd.s32 $0xFFFFE000  }
0x5d: {  	_ =	swait.ge [sflag:s28], $0x2000  }
0x5e: {  	[sflag:s28] =	ssyncset.done $0x0  }
0x5f: {  	s6 =	sadd.s32 $0xFFFFE800, s25;
	[sflag:s28] =	ssyncadd.s32 $0xFFFFE000  }
0x60: {  	[hbm4b:s6+s2] =	stream.linear.scatter [tilespmem:s13], [sflag:$0x5], $0x4000, $0x38;
	[tilespmem:$0x16400] =	vst v63  }
0x61: {  	_ =	swait.ge [sflag:s29], $0x2000  }
0x62: {  	[sflag:s29] =	ssyncset.done $0x0  }
0x63: {  	[sflag:s29] =	ssyncadd.s32 $0xFFFFE000  }
0x64: {  	_ =	swait.ge [sflag:s29], $0x2000  }
0x65: {  	[sflag:s29] =	ssyncset.done $0x0  }
0x66: {  	s21 =	sadd.s32 $0xFFFFF000, s25;
	[sflag:s29] =	ssyncadd.s32 $0xFFFFE000  }
0x67: {  	[hbm4b:s21+s2] =	stream.linear.scatter [tilespmem:s16], [sflag:$0x6], $0x4000, $0x38;
	[tilespmem:$0x16400] =	vst v63  }
0x68: {  	_ =	swait.ge [sflag:s30], $0x2000  }
0x69: {  	[sflag:s30] =	ssyncset.done $0x0  }
0x6a: {  	[sflag:s30] =	ssyncadd.s32 $0xFFFFE000  }
0x6b: {  	_ =	swait.ge [sflag:s30], $0x2000  }
0x6c: {  	[sflag:s30] =	ssyncset.done $0x0  }
0x6d: {  	s23 =	sadd.s32 $0xFFFFF800, s25;
	[sflag:s30] =	ssyncadd.s32 $0xFFFFE000  }
0x6e: {  	[hbm4b:s23+s2] =	stream.linear.scatter [tilespmem:s20], [sflag:$0x7], $0x4000, $0x38;
	[tilespmem:$0x16400] =	vst v63  }
0x6f: {  	_ =	swait.ge [sflag:s31], $0x2000  }
0x70: {  	[sflag:s31] =	ssyncset.done $0x0  }
0x71: {  	[sflag:s31] =	ssyncadd.s32 $0xFFFFE000  }
0x72: {  	_ =	swait.ge [sflag:s31], $0x2000  }
0x73: {  	s10 =	smov.u32 s25;
	[sflag:s31] =	ssyncset.done $0x0  }
0x74: {  	s21 =	simm.s32 $0x1000;
	s23 =	sadd.s32 $0x2000, s25;
	[sflag:s31] =	ssyncadd.s32 $0xFFFFE000  }
.LBB2_2:
0x75: {  	[hbm4b:s10+s2] =	stream.linear.scatter [tilespmem:s24], [sflag:$0x8], $0x4000, $0x38;
	[tilespmem:$0x16400] =	vst v63  }
0x76: {  	s5 =	smov.u32 s21;
	s10 =	smov.u32 s23  }
0x77: {  	p0 =	sne.s32 s21, $0x17000;
	s21 =	sadd.s32 $0x1000, s21;
	_ =	swait.ge [sflag:s1], $0x4000  }
0x78: {  	s5 =	sshra.s32 s5, $0x2;
	[sflag:s1] =	ssyncset.done $0x0  }
0x79: {  	s6 =	sadd.s32 $0x400, s5;
	[sflag:s1] =	ssyncadd.s32 $0xFFFFC000  }
0x7a: {  	[tilespmem:s13], [sflag:$0x1] =	stream.indirect.gather [hbm4b:s3+s12], $0x40, s6, s12, $0xb8;
	[tilespmem:$0x16400] =	vst v63  }
0x7b: {  	s6 =	sadd.s32 $0x480, s5  }
0x7c: {  	[tilespmem:s14], [sflag:$0x1] =	stream.indirect.gather [hbm4b:s3+s12], $0x40, s6, s12, $0xb8;
	[tilespmem:$0x16400] =	vst v63  }
0x7d: {  	_ =	swait.ge [sflag:s0], $0x4000  }
0x7e: {  	[sflag:s0] =	ssyncset.done $0x0  }
0x7f: {  	s6 =	sadd.s32 $0x500, s5;
	[sflag:s0] =	ssyncadd.s32 $0xFFFFC000  }
0x80: {  	[tilespmem:s16], [sflag:$0x2] =	stream.indirect.gather [hbm4b:s3+s12], $0x40, s6, s12, $0xb8;
	[tilespmem:$0x16400] =	vst v63  }
0x81: {  	s6 =	sadd.s32 $0x580, s5  }
0x82: {  	[tilespmem:s18], [sflag:$0x2] =	stream.indirect.gather [hbm4b:s3+s12], $0x40, s6, s12, $0xb8;
	[tilespmem:$0x16400] =	vst v63  }
0x83: {  	_ =	swait.ge [sflag:s15], $0x4000  }
0x84: {  	[sflag:s15] =	ssyncset.done $0x0  }
0x85: {  	s6 =	sadd.s32 $0x600, s5;
	[sflag:s15] =	ssyncadd.s32 $0xFFFFC000  }
0x86: {  	[tilespmem:s20], [sflag:$0x3] =	stream.indirect.gather [hbm4b:s3+s12], $0x40, s6, s12, $0xb8;
	[tilespmem:$0x16400] =	vst v63  }
0x87: {  	s6 =	sadd.s32 $0x680, s5  }
0x88: {  	[tilespmem:s22], [sflag:$0x3] =	stream.indirect.gather [hbm4b:s3+s12], $0x40, s6, s12, $0xb8;
	[tilespmem:$0x16400] =	vst v63  }
0x89: {  	_ =	swait.ge [sflag:s17], $0x4000  }
0x8a: {  	[sflag:s17] =	ssyncset.done $0x0  }
0x8b: {  	s6 =	sadd.s32 $0x700, s5;
	[sflag:s17] =	ssyncadd.s32 $0xFFFFC000  }
0x8c: {  	[tilespmem:s24], [sflag:$0x4] =	stream.indirect.gather [hbm4b:s3+s12], $0x40, s6, s12, $0xb8;
	[tilespmem:$0x16400] =	vst v63  }
0x8d: {  	s5 =	sadd.s32 $0x780, s5  }
0x8e: {  	[tilespmem:s26], [sflag:$0x4] =	stream.indirect.gather [hbm4b:s3+s12], $0x40, s5, s12, $0xb8;
	[tilespmem:$0x16400] =	vst v63  }
0x8f: {  	_ =	swait.ge [sflag:s28], $0x2000  }
0x90: {  	[sflag:s28] =	ssyncset.done $0x0  }
0x91: {  	[sflag:s28] =	ssyncadd.s32 $0xFFFFE000  }
0x92: {  	_ =	swait.ge [sflag:s28], $0x2000  }
0x93: {  	[sflag:s28] =	ssyncset.done $0x0  }
0x94: {  	s5 =	sadd.s32 $0xFFFFE800, s23;
	[sflag:s28] =	ssyncadd.s32 $0xFFFFE000  }
0x95: {  	[hbm4b:s5+s2] =	stream.linear.scatter [tilespmem:s13], [sflag:$0x5], $0x4000, $0x38;
	[tilespmem:$0x16400] =	vst v63  }
0x96: {  	_ =	swait.ge [sflag:s29], $0x2000  }
0x97: {  	[sflag:s29] =	ssyncset.done $0x0  }
0x98: {  	[sflag:s29] =	ssyncadd.s32 $0xFFFFE000  }
0x99: {  	_ =	swait.ge [sflag:s29], $0x2000  }
0x9a: {  	[sflag:s29] =	ssyncset.done $0x0  }
0x9b: {  	s5 =	sadd.s32 $0xFFFFF000, s23;
	[sflag:s29] =	ssyncadd.s32 $0xFFFFE000  }
0x9c: {  	[hbm4b:s5+s2] =	stream.linear.scatter [tilespmem:s16], [sflag:$0x6], $0x4000, $0x38;
	[tilespmem:$0x16400] =	vst v63  }
0x9d: {  	_ =	swait.ge [sflag:s30], $0x2000  }
0x9e: {  	[sflag:s30] =	ssyncset.done $0x0  }
0x9f: {  	[sflag:s30] =	ssyncadd.s32 $0xFFFFE000  }
0xa0: {  	_ =	swait.ge [sflag:s30], $0x2000  }
0xa1: {  	[sflag:s30] =	ssyncset.done $0x0  }
0xa2: {  	s5 =	sadd.s32 $0xFFFFF800, s23;
	[sflag:s30] =	ssyncadd.s32 $0xFFFFE000  }
0xa3: {  	[hbm4b:s5+s2] =	stream.linear.scatter [tilespmem:s20], [sflag:$0x7], $0x4000, $0x38;
	[tilespmem:$0x16400] =	vst v63  }
0xa4: {  	_ =	swait.ge [sflag:s31], $0x2000  }
.Ltmp0:
0xa5: {  	[sflag:s31] =	ssyncset.done $0x0;
	(pc) =	sbr.rel @p0 .LBB2_2-.Ltmp0, $4  }
0xa6: {  	[sflag:s31] =	ssyncadd.s32 $0xFFFFE000  }
0xa7: {  	_ =	swait.ge [sflag:s31], $0x2000  }
0xa8: {  	[sflag:s31] =	ssyncset.done $0x0  }
0xa9: {  	s23 =	sadd.s32 $0x2000, s23;
	[sflag:s31] =	ssyncadd.s32 $0xFFFFE000  }
0xaa: {  	[hbm4b:s10+s2] =	stream.linear.scatter [tilespmem:s24], [sflag:$0x8], $0x4000, $0x38;
	[tilespmem:$0x16400] =	vst v63  }
0xab: {  	_ =	swait.ge [sflag:s1], $0x4000  }
0xac: {  	[sflag:s1] =	ssyncset.done $0x0  }
0xad: {  	[sflag:s1] =	ssyncadd.s32 $0xFFFFC000  }
0xae: {  	_ =	swait.ge [sflag:s0], $0x4000  }
0xaf: {  	[sflag:s0] =	ssyncset.done $0x0  }
0xb0: {  	s19 =	sadd.s32 $0x1, s19;
	[sflag:s0] =	ssyncadd.s32 $0xFFFFC000  }
0xb1: {  	p0 =	sne.s32 s19, s9;
	_ =	swait.ge [sflag:s15], $0x4000  }
.Ltmp1:
0xb2: {  	[sflag:s15] =	ssyncset.done $0x0;
	(pc) =	sbr.rel @p0 .LBB2_1-.Ltmp1, $4  }
0xb3: {  	[sflag:s15] =	ssyncadd.s32 $0xFFFFC000  }
0xb4: {  	_ =	swait.ge [sflag:s17], $0x4000  }
0xb5: {  	[sflag:s17] =	ssyncset.done $0x0  }
0xb6: {  	[sflag:s17] =	ssyncadd.s32 $0xFFFFC000  }
0xb7: {  	_ =	sfence.sel $0x180000  }
0xb8: {  	[bflag:$0x0] =	sbarrier.arrive $0xFFFF  }
0xb9: {  	_ =	strace $0x9000004A  }
0xba: {  	s0 =	stileid.u32;
	[bflag:$0x2] =	sbarrier.arrive $0xFFFF  }
0xbb: {  	p0 =	sne.s32 s0, $0x0;
	s0 =	rddreg [dreg:$0x1]  }
0xbc: {  	s0 =	sadd.s32 @!p0 $0x100000, s0  }
0xbd: {  	[sflag:s0] =	ssyncadd.tile.s32 @!p0 $0x1;
	_ =	shalt  }
.Lfunc_end2:
_tile_overlayer_lowered:
.L_overlay_start_2:
0xbe: {  	(tag) =	ssettag $0x2  }
0xbf: {  	s0 =	rddreg [dreg:$0x0];
	s2 =	stileid.u32  }
0xc0: {  	s1 =	rddreg [dreg:$0x1];
	p0 =	sne.s32 s2, $0x0  }
0xc1: {  	s3 =	rddreg [dreg:$0x2];
	[bflag:$0x3] =	sbarrier.arrive $0xFFFF;
	s2 =	simm.s32 @!p0 $0x1C09  }
0xc2: {  	[timem:s3], [sflag:s2] =	dma.local @!p0 [hbm:s0], s1  }
0xc3: {  	s0 =	simm.s32 @!p0 $0x9  }
0xc4: {  	_ =	swait.ge @!p0 [sflag:s0], s1  }
0xc5: {  	s1 =	ssub.s32 @!p0 $0x0, s1;
	[sflag:s0] =	ssyncset.done @!p0 $0x0  }
0xc6: {  	[sflag:s0] =	ssyncadd.s32 @!p0 s1  }
0xc7: {  	[bflag:$0x3] =	sbarrier.arrive $0xFFFF  }
0xc8: {  	_ =	shalt  }

</sc_bundles>
